<compile_context>
chip_gen: v7x
topology: tpu7x:2x2x1
jax: 0.10.2.dev20260603
libtpu: 0.0.44.dev20260713+nightly
codegen_flags: <defaults>
</compile_context>

<pallas_src>
import functools

import jax
import jax.numpy as jnp
from jax import lax
from jax.experimental import pallas as pl
from jax.experimental.pallas import tpu as pltpu
from jax.experimental.pallas import tpu_sc as plsc

N_CORES = 2
N_SUBCORES = 16
N_TILES = N_CORES * N_SUBCORES
EDGE_CHUNK = 128
AGG_CHUNK = 120
NBUF = 3
NIDX = 6
UNROLL = 6
NBUF_DEC = 7
HPAD = 128

_MESH = plsc.VectorSubcoreMesh(
    core_axis_name="c", subcore_axis_name="s",
    num_cores=N_CORES, num_subcores=N_SUBCORES)


@functools.partial(jax.jit, static_argnames=("n_nodes", "d", "cpt"))
def _sc_aggregate(h, ei2, init_rows, *, n_nodes, d, cpt):
    rpt = (n_nodes // N_SUBCORES) // 8 * 8
    rem = n_nodes - rpt * N_SUBCORES

    @functools.partial(
        pl.kernel,
        out_type=jax.ShapeDtypeStruct((N_CORES, n_nodes, d), jnp.float32),
        mesh=_MESH,
        scratch_types=[
            pltpu.VMEM((NIDX, 2, AGG_CHUNK), jnp.int32),
            pltpu.VMEM((NBUF, AGG_CHUNK, d), jnp.float32),
            pltpu.VMEM_SHARED((n_nodes, d), jnp.float32),
            pltpu.SemaphoreType.DMA,
            pltpu.SemaphoreType.DMA,
            pltpu.SemaphoreType.DMA,
            pltpu.SemaphoreType.DMA,
            pltpu.SemaphoreType.DMA,
            pltpu.SemaphoreType.DMA,
            pltpu.SemaphoreType.DMA,
            pltpu.SemaphoreType.DMA,
            pltpu.SemaphoreType.DMA,
        ],
    )
    def agg_kernel(h_hbm, ei_hbm, init_hbm, out_hbm,
                   eib_v, rows_v, acc_sh,
                   i0, i1, i2, i3, i4, i5, g0, g1, g2):
        isems = (i0, i1, i2, i3, i4, i5)
        gsems = (g0, g1, g2)
        cid = lax.axis_index("c")
        sid = lax.axis_index("s")
        t0 = (cid * N_SUBCORES + sid) * cpt

        def idx_issue(c, s):
            pltpu.async_copy(ei_hbm.at[t0 + c], eib_v.at[s], isems[s])

        def idx_wait(c, s):
            pltpu.make_async_copy(ei_hbm.at[t0 + c], eib_v.at[s],
                                  isems[s]).wait()

        def gather(s, b):
            return pltpu.async_copy(h_hbm.at[eib_v.at[s, 0]], rows_v.at[b],
                                    gsems[b])

        def gather_wait(s, b):
            pltpu.make_async_copy(h_hbm.at[eib_v.at[s, 0]], rows_v.at[b],
                                  gsems[b]).wait()

        for s in range(NIDX):
            idx_issue(s, s)

        my_rows = pl.ds(sid * rpt, rpt)
        pltpu.sync_copy(init_hbm.at[cid, pl.ds(0, rpt)], acc_sh.at[my_rows])

        @pl.when(sid == N_SUBCORES - 1)
        def _init_tail():
            pltpu.sync_copy(
                init_hbm.at[cid, pl.ds(rpt, rem)],
                acc_sh.at[pl.ds(rpt * N_SUBCORES, rem)])

        plsc.subcore_barrier()

        for b in range(NBUF):
            idx_wait(b, b)
            gather(b, b)

        @pl.loop(0, cpt // UNROLL)
        def _ring(j):
            for k in range(UNROLL):
                c = j * UNROLL + k
                b = k % NBUF
                si = k % NIDX
                gather_wait(si, b)
                pltpu.sync_copy(rows_v.at[b], acc_sh.at[eib_v.at[si, 1]],
                                add=True)

                @pl.when(c + NBUF < cpt)
                def _rearm_gather():
                    idx_wait(c + NBUF, (k + NBUF) % NIDX)
                    gather((k + NBUF) % NIDX, b)

                @pl.when(c + NIDX < cpt)
                def _rearm_idx():
                    idx_issue(c + NIDX, si)

        plsc.subcore_barrier()
        pltpu.sync_copy(acc_sh.at[my_rows], out_hbm.at[cid, my_rows])

        @pl.when(sid == N_SUBCORES - 1)
        def _out_tail():
            tail = pl.ds(rpt * N_SUBCORES, rem)
            pltpu.sync_copy(acc_sh.at[tail], out_hbm.at[cid, tail])

    return agg_kernel(h, ei2, init_rows)


@functools.partial(jax.jit, static_argnames=("d", "cpt"))
def _sc_decode_gather(z, idx_l, *, d, cpt):
    n_out = cpt * N_TILES * EDGE_CHUNK

    @functools.partial(
        pl.kernel,
        out_type=jax.ShapeDtypeStruct((n_out, d), jnp.float32),
        mesh=_MESH,
        scratch_types=[
            pltpu.VMEM((cpt * EDGE_CHUNK,), jnp.int32),
            pltpu.VMEM((NBUF_DEC, EDGE_CHUNK, d), jnp.float32),
            pltpu.SemaphoreType.DMA,
            pltpu.SemaphoreType.DMA,
            pltpu.SemaphoreType.DMA,
            pltpu.SemaphoreType.DMA,
            pltpu.SemaphoreType.DMA,
            pltpu.SemaphoreType.DMA,
            pltpu.SemaphoreType.DMA,
            pltpu.SemaphoreType.DMA,
        ],
    )
    def dec_kernel(z_hbm, idx_hbm, out_hbm,
                   idxb_v, rows_v,
                   isem, g0, g1, g2, g3, g4, g5, g6):
        gsems = (g0, g1, g2, g3, g4, g5, g6)
        cid = lax.axis_index("c")
        sid = lax.axis_index("s")
        t0 = (cid * N_SUBCORES + sid) * cpt * EDGE_CHUNK

        pltpu.async_copy(idx_hbm.at[pl.ds(t0, cpt * EDGE_CHUNK)],
                         idxb_v, isem).wait()

        def gather(c, b):
            return pltpu.async_copy(
                z_hbm.at[idxb_v.at[pl.ds(c * EDGE_CHUNK, EDGE_CHUNK)]],
                rows_v.at[b], gsems[b])

        for b in range(NBUF_DEC):
            gather(b, b)

        @pl.loop(0, cpt // NBUF_DEC)
        def _ring(j):
            base = j * NBUF_DEC
            for b in range(NBUF_DEC):
                c = base + b
                pltpu.make_async_copy(
                    z_hbm.at[idxb_v.at[pl.ds(c * EDGE_CHUNK, EDGE_CHUNK)]],
                    rows_v.at[b], gsems[b]).wait()
                sl = pl.ds(t0 + c * EDGE_CHUNK, EDGE_CHUNK)
                pltpu.sync_copy(rows_v.at[b], out_hbm.at[sl])

                @pl.when(c + NBUF_DEC < cpt)
                def _rearm():
                    gather(c + NBUF_DEC, b)

    return dec_kernel(z, idx_l)


def _mm_first(x, w):
    n, d = x.shape

    def body(x_ref, w_ref, o_ref):
        o_ref[pl.ds(0, n)] = jnp.dot(x_ref[...], w_ref[...],
                                     preferred_element_type=jnp.float32)
        o_ref[pl.ds(n, HPAD)] = jnp.zeros((HPAD, w_ref.shape[1]), jnp.float32)

    return pl.pallas_call(
        body,
        out_shape=jax.ShapeDtypeStruct((n + HPAD, w.shape[1]), jnp.float32),
    )(x, w)


def _mm_fused(parts, w):
    _, n, d = parts.shape

    def body(p_ref, w_ref, o_ref):
        z = jnp.maximum(p_ref[0] + p_ref[1], 0.0)
        o_ref[pl.ds(0, n)] = jnp.dot(z, w_ref[...],
                                     preferred_element_type=jnp.float32)
        o_ref[pl.ds(n, HPAD)] = jnp.zeros((HPAD, w_ref.shape[1]), jnp.float32)

    return pl.pallas_call(
        body,
        out_shape=jax.ShapeDtypeStruct((n + HPAD, w.shape[1]), jnp.float32),
    )(parts, w)


def _add_parts(parts):
    _, n, d = parts.shape

    def body(p_ref, o_ref):
        o_ref[...] = p_ref[0] + p_ref[1]

    return pl.pallas_call(
        body,
        out_shape=jax.ShapeDtypeStruct((n, d), jnp.float32),
    )(parts)


def _dot_rows(g, n):
    d = g.shape[1]
    grid = 20 if n % 160 == 0 else 16
    blk = n // grid

    def body(s_ref, d_ref, o_ref):
        o_ref[...] = jnp.sum(s_ref[...] * d_ref[...], axis=1, keepdims=True)

    return pl.pallas_call(
        body,
        grid=(grid,),
        in_specs=[pl.BlockSpec((blk, d), lambda i: (i, 0)),
                  pl.BlockSpec((blk, d), lambda i: (i + grid, 0))],
        out_specs=pl.BlockSpec((blk, 1), lambda i: (i, 0)),
        out_shape=jax.ShapeDtypeStruct((n, 1), jnp.float32),
    )(g, g)


def kernel(x, edge_index, edge_label_index, W1, b1, W2, b2, W3, b3):
    n_nodes, d = x.shape
    n_edges = edge_index.shape[1]
    n_lbl = edge_label_index.shape[1]
    rpt = (n_nodes // N_SUBCORES) // 8 * 8
    rem = n_nodes - rpt * N_SUBCORES
    init_len = rpt + rem

    chunks_e = -(-n_edges // AGG_CHUNK)
    cpt_e = -(-chunks_e // (N_TILES * UNROLL)) * UNROLL
    e_pad = cpt_e * N_TILES * AGG_CHUNK
    n_fill = e_pad - n_edges
    fill = jnp.arange(n_fill, dtype=jnp.int32)
    src2 = jnp.concatenate([edge_index[0], n_nodes + fill % HPAD]
                           ).reshape(-1, AGG_CHUNK)
    dst2 = jnp.concatenate([edge_index[1], fill % n_nodes]
                           ).reshape(-1, AGG_CHUNK)
    ei2 = jnp.stack([src2, dst2], axis=1)

    def init_rows(b):
        return jnp.stack([
            jnp.broadcast_to(b, (init_len, d)),
            jnp.zeros((init_len, d), jnp.float32),
        ])

    h1 = _mm_first(x, W1)
    p1 = _sc_aggregate(h1, ei2, init_rows(b1),
                       n_nodes=n_nodes, d=d, cpt=cpt_e)
    h2 = _mm_fused(p1, W2)
    p2 = _sc_aggregate(h2, ei2, init_rows(b2),
                       n_nodes=n_nodes, d=d, cpt=cpt_e)
    h3 = _mm_fused(p2, W3)
    p3 = _sc_aggregate(h3, ei2, init_rows(b3),
                       n_nodes=n_nodes, d=d, cpt=cpt_e)
    z = _add_parts(p3)

    chunks_l = -(-(2 * n_lbl) // EDGE_CHUNK)
    cpt_l = -(-chunks_l // (N_TILES * NBUF_DEC)) * NBUF_DEC
    l_pad = cpt_l * N_TILES * EDGE_CHUNK
    fill_l = jnp.arange(l_pad - 2 * n_lbl, dtype=jnp.int32) % n_nodes
    idx_l = jnp.concatenate([edge_label_index[0], edge_label_index[1], fill_l])
    g = _sc_decode_gather(z, idx_l, d=d, cpt=cpt_l)
    dots = _dot_rows(g, n_lbl)
    return dots[:, 0]

# --- scband reference (transcript-rebuilt; emitter-appended) ---
"""Pipeline reference for scband-gcn-88278757802628 (READ-ONLY COPY).

The authoritative reference and input builder live on the scoring server;
editing this copy changes nothing except your own understanding.
"""

import jax, jax.numpy as jnp
import numpy as np

N_NODES = 10000
D_IN = 128
D_HID = 128
D_OUT = 128
N_EDGES = 320000
N_LABEL_EDGES = 100000


def gcn_conv(x, edge_index, W, b, num_nodes):
    # GCNConv with normalize=False: out = scatter_add(x @ W over edges) + b
    h = x @ W
    msg = h[edge_index[0]]  # gather source node features
    agg = jax.ops.segment_sum(msg, edge_index[1], num_segments=num_nodes)
    return agg + b


def setup_inputs(seed: int = 0) -> dict:
    key = jax.random.key(seed)
    ks = jax.random.split(key, 10)
    x = jax.random.normal(ks[0], (N_NODES, D_IN), dtype=jnp.float32)
    edge_index = jax.random.randint(ks[1], (2, N_EDGES), 0, N_NODES, dtype=jnp.int32)
    edge_label_index = jax.random.randint(ks[2], (2, N_LABEL_EDGES), 0, N_NODES, dtype=jnp.int32)
    # Glorot-style init for GCNConv weights, zeros for bias (PyG default)
    s1 = float(np.sqrt(6.0 / (D_IN + D_HID)))
    s2 = float(np.sqrt(6.0 / (D_HID + D_HID)))
    s3 = float(np.sqrt(6.0 / (D_HID + D_OUT)))
    W1 = jax.random.uniform(ks[3], (D_IN, D_HID), jnp.float32, -s1, s1)
    b1 = jnp.zeros((D_HID,), jnp.float32)
    W2 = jax.random.uniform(ks[4], (D_HID, D_HID), jnp.float32, -s2, s2)
    b2 = jnp.zeros((D_HID,), jnp.float32)
    W3 = jax.random.uniform(ks[5], (D_HID, D_OUT), jnp.float32, -s3, s3)
    b3 = jnp.zeros((D_OUT,), jnp.float32)
    return {"x": x, "edge_index": edge_index, "edge_label_index": edge_label_index,
            "W1": W1, "b1": b1, "W2": W2, "b2": b2, "W3": W3, "b3": b3}


def reference(x, edge_index, edge_label_index, W1, b1, W2, b2, W3, b3):
    n = x.shape[0]
    # encode: conv -> relu -> (dropout is identity in eval) -> conv -> relu -> conv
    z = jax.nn.relu(gcn_conv(x, edge_index, W1, b1, n))
    z = jax.nn.relu(gcn_conv(z, edge_index, W2, b2, n))
    z = gcn_conv(z, edge_index, W3, b3, n)
    # decode: dot product of endpoint embeddings
    src = z[edge_label_index[0]]
    dst = z[edge_label_index[1]]
    return (src * dst).sum(axis=-1)

if __name__ == "__main__":
    import jax
    _d = setup_inputs()
    print(jax.jit(kernel)(*tuple(_d.values())))

</pallas_src>

<mosaic_0001>
#map = affine_map<(d0, d1) -> (0, 0)>
#map1 = affine_map<(d0, d1) -> (0, 0, 0)>
module attributes {stable_mosaic.version = 14 : i64} {
  func.func @agg_kernel(%arg0: i32, %arg1: i32, %arg2: memref<10128x128xf32, #tpu.memory_space<hbm>>, %arg3: memref<2688x2x120xi32, #tpu.memory_space<hbm>>, %arg4: memref<2x640x128xf32, #tpu.memory_space<hbm>>, %arg5: memref<2x10000x128xf32, #tpu.memory_space<hbm>>, %arg6: memref<6x2x120xi32, #tpu.memory_space<vmem>>, %arg7: memref<3x120x128xf32, #tpu.memory_space<vmem>>, %arg8: memref<10000x128xf32, #tpu.memory_space<vmem_shared>>, %arg9: memref<!tpu.dma_semaphore, #tpu.memory_space<semaphore_mem>>, %arg10: memref<!tpu.dma_semaphore, #tpu.memory_space<semaphore_mem>>, %arg11: memref<!tpu.dma_semaphore, #tpu.memory_space<semaphore_mem>>, %arg12: memref<!tpu.dma_semaphore, #tpu.memory_space<semaphore_mem>>, %arg13: memref<!tpu.dma_semaphore, #tpu.memory_space<semaphore_mem>>, %arg14: memref<!tpu.dma_semaphore, #tpu.memory_space<semaphore_mem>>, %arg15: memref<!tpu.dma_semaphore, #tpu.memory_space<semaphore_mem>>, %arg16: memref<!tpu.dma_semaphore, #tpu.memory_space<semaphore_mem>>, %arg17: memref<!tpu.dma_semaphore, #tpu.memory_space<semaphore_mem>>) attributes {dimension_semantics = [#tpu.dimension_semantics<core_parallel>, #tpu.dimension_semantics<subcore_parallel>], iteration_bounds = array<i64: 2, 16>, scalar_prefetch = 0 : i64, scratch_operands = 12 : i64, tpu.core_type = #tpu.core_type<sc_vector_subcore>, window_params = [{transform_indices = #map}, {transform_indices = #map1}, {transform_indices = #map1}, {transform_indices = #map1}]} {
    %mul3A = arith.constant 16 : i32
    %mul3A_0 = arith.muli %arg0, %mul3A : i32
    %add3A = arith.addi %mul3A_0, %arg1 : i32
    %mul3A_1 = arith.constant 84 : i32
    %mul3A_2 = arith.muli %add3A, %mul3A_1 : i32
    %add3A_3 = arith.constant 0 : i32
    %add3A_4 = arith.addi %mul3A_2, %add3A_3 : i32
    %dma_start3A = arith.constant 0 : i32
    %dma_start3A_5 = arith.constant 0 : i32
    %dma_start3A_6 = arith.constant 0 : i32
    %dma_start3A_7 = tpu.memref_slice %arg6[%dma_start3A, %dma_start3A_5, %dma_start3A_6] : memref<6x2x120xi32, #tpu.memory_space<vmem>> -> memref<1x2x120xi32, #tpu.memory_space<vmem>>
    %dma_start3A_8 = tpu.memref_squeeze %dma_start3A_7 : memref<1x2x120xi32, #tpu.memory_space<vmem>> -> memref<2x120xi32, #tpu.memory_space<vmem>>
    %dma_start3A_9 = arith.constant 0 : i32
    %dma_start3A_10 = arith.constant 0 : i32
    %dma_start3A_11 = tpu.memref_slice %arg3[%add3A_4, %dma_start3A_9, %dma_start3A_10] : memref<2688x2x120xi32, #tpu.memory_space<hbm>> -> memref<1x2x120xi32, #tpu.memory_space<hbm>>
    %dma_start3A_12 = tpu.memref_squeeze %dma_start3A_11 : memref<1x2x120xi32, #tpu.memory_space<hbm>> -> memref<2x120xi32, #tpu.memory_space<hbm>>
    %dma_start3A_13 = arith.constant 0 : i32
    %dma_start3A_14 = arith.constant 0 : i32
    %dma_start3A_15 = tpu.memref_slice %arg6[%dma_start3A, %dma_start3A_13, %dma_start3A_14] : memref<6x2x120xi32, #tpu.memory_space<vmem>> -> memref<1x2x120xi32, #tpu.memory_space<vmem>>
    %dma_start3A_16 = tpu.memref_squeeze %dma_start3A_15 : memref<1x2x120xi32, #tpu.memory_space<vmem>> -> memref<2x120xi32, #tpu.memory_space<vmem>>
    %dma_start3A_17 = arith.constant 0 : i32
    %dma_start3A_18 = arith.constant 0 : i32
    %dma_start3A_19 = tpu.memref_slice %arg3[%add3A_4, %dma_start3A_17, %dma_start3A_18] : memref<2688x2x120xi32, #tpu.memory_space<hbm>> -> memref<1x2x120xi32, #tpu.memory_space<hbm>>
    %dma_start3A_20 = tpu.memref_squeeze %dma_start3A_19 : memref<1x2x120xi32, #tpu.memory_space<hbm>> -> memref<2x120xi32, #tpu.memory_space<hbm>>
    tpu.enqueue_dma source(%dma_start3A_20 : memref<2x120xi32, #tpu.memory_space<hbm>>) target(%dma_start3A_16 : memref<2x120xi32, #tpu.memory_space<vmem>>) target_semaphore(%arg9 : memref<!tpu.dma_semaphore, #tpu.memory_space<semaphore_mem>>)
    %add3A_21 = arith.constant 1 : i32
    %add3A_22 = arith.addi %mul3A_2, %add3A_21 : i32
    %dma_start3A_23 = arith.constant 1 : i32
    %dma_start3A_24 = arith.constant 0 : i32
    %dma_start3A_25 = arith.constant 0 : i32
    %dma_start3A_26 = tpu.memref_slice %arg6[%dma_start3A_23, %dma_start3A_24, %dma_start3A_25] : memref<6x2x120xi32, #tpu.memory_space<vmem>> -> memref<1x2x120xi32, #tpu.memory_space<vmem>>
    %dma_start3A_27 = tpu.memref_squeeze %dma_start3A_26 : memref<1x2x120xi32, #tpu.memory_space<vmem>> -> memref<2x120xi32, #tpu.memory_space<vmem>>
    %dma_start3A_28 = arith.constant 0 : i32
    %dma_start3A_29 = arith.constant 0 : i32
    %dma_start3A_30 = tpu.memref_slice %arg3[%add3A_22, %dma_start3A_28, %dma_start3A_29] : memref<2688x2x120xi32, #tpu.memory_space<hbm>> -> memref<1x2x120xi32, #tpu.memory_space<hbm>>
    %dma_start3A_31 = tpu.memref_squeeze %dma_start3A_30 : memref<1x2x120xi32, #tpu.memory_space<hbm>> -> memref<2x120xi32, #tpu.memory_space<hbm>>
    %dma_start3A_32 = arith.constant 0 : i32
    %dma_start3A_33 = arith.constant 0 : i32
    %dma_start3A_34 = tpu.memref_slice %arg6[%dma_start3A_23, %dma_start3A_32, %dma_start3A_33] : memref<6x2x120xi32, #tpu.memory_space<vmem>> -> memref<1x2x120xi32, #tpu.memory_space<vmem>>
    %dma_start3A_35 = tpu.memref_squeeze %dma_start3A_34 : memref<1x2x120xi32, #tpu.memory_space<vmem>> -> memref<2x120xi32, #tpu.memory_space<vmem>>
    %dma_start3A_36 = arith.constant 0 : i32
    %dma_start3A_37 = arith.constant 0 : i32
    %dma_start3A_38 = tpu.memref_slice %arg3[%add3A_22, %dma_start3A_36, %dma_start3A_37] : memref<2688x2x120xi32, #tpu.memory_space<hbm>> -> memref<1x2x120xi32, #tpu.memory_space<hbm>>
    %dma_start3A_39 = tpu.memref_squeeze %dma_start3A_38 : memref<1x2x120xi32, #tpu.memory_space<hbm>> -> memref<2x120xi32, #tpu.memory_space<hbm>>
    tpu.enqueue_dma source(%dma_start3A_39 : memref<2x120xi32, #tpu.memory_space<hbm>>) target(%dma_start3A_35 : memref<2x120xi32, #tpu.memory_space<vmem>>) target_semaphore(%arg10 : memref<!tpu.dma_semaphore, #tpu.memory_space<semaphore_mem>>)
    %add3A_40 = arith.constant 2 : i32
    %add3A_41 = arith.addi %mul3A_2, %add3A_40 : i32
    %dma_start3A_42 = arith.constant 2 : i32
    %dma_start3A_43 = arith.constant 0 : i32
    %dma_start3A_44 = arith.constant 0 : i32
    %dma_start3A_45 = tpu.memref_slice %arg6[%dma_start3A_42, %dma_start3A_43, %dma_start3A_44] : memref<6x2x120xi32, #tpu.memory_space<vmem>> -> memref<1x2x120xi32, #tpu.memory_space<vmem>>
    %dma_start3A_46 = tpu.memref_squeeze %dma_start3A_45 : memref<1x2x120xi32, #tpu.memory_space<vmem>> -> memref<2x120xi32, #tpu.memory_space<vmem>>
    %dma_start3A_47 = arith.constant 0 : i32
    %dma_start3A_48 = arith.constant 0 : i32
    %dma_start3A_49 = tpu.memref_slice %arg3[%add3A_41, %dma_start3A_47, %dma_start3A_48] : memref<2688x2x120xi32, #tpu.memory_space<hbm>> -> memref<1x2x120xi32, #tpu.memory_space<hbm>>
    %dma_start3A_50 = tpu.memref_squeeze %dma_start3A_49 : memref<1x2x120xi32, #tpu.memory_space<hbm>> -> memref<2x120xi32, #tpu.memory_space<hbm>>
    %dma_start3A_51 = arith.constant 0 : i32
    %dma_start3A_52 = arith.constant 0 : i32
    %dma_start3A_53 = tpu.memref_slice %arg6[%dma_start3A_42, %dma_start3A_51, %dma_start3A_52] : memref<6x2x120xi32, #tpu.memory_space<vmem>> -> memref<1x2x120xi32, #tpu.memory_space<vmem>>
    %dma_start3A_54 = tpu.memref_squeeze %dma_start3A_53 : memref<1x2x120xi32, #tpu.memory_space<vmem>> -> memref<2x120xi32, #tpu.memory_space<vmem>>
    %dma_start3A_55 = arith.constant 0 : i32
    %dma_start3A_56 = arith.constant 0 : i32
    %dma_start3A_57 = tpu.memref_slice %arg3[%add3A_41, %dma_start3A_55, %dma_start3A_56] : memref<2688x2x120xi32, #tpu.memory_space<hbm>> -> memref<1x2x120xi32, #tpu.memory_space<hbm>>
    %dma_start3A_58 = tpu.memref_squeeze %dma_start3A_57 : memref<1x2x120xi32, #tpu.memory_space<hbm>> -> memref<2x120xi32, #tpu.memory_space<hbm>>
    tpu.enqueue_dma source(%dma_start3A_58 : memref<2x120xi32, #tpu.memory_space<hbm>>) target(%dma_start3A_54 : memref<2x120xi32, #tpu.memory_space<vmem>>) target_semaphore(%arg11 : memref<!tpu.dma_semaphore, #tpu.memory_space<semaphore_mem>>)
    %add3A_59 = arith.constant 3 : i32
    %add3A_60 = arith.addi %mul3A_2, %add3A_59 : i32
    %dma_start3A_61 = arith.constant 3 : i32
    %dma_start3A_62 = arith.constant 0 : i32
    %dma_start3A_63 = arith.constant 0 : i32
    %dma_start3A_64 = tpu.memref_slice %arg6[%dma_start3A_61, %dma_start3A_62, %dma_start3A_63] : memref<6x2x120xi32, #tpu.memory_space<vmem>> -> memref<1x2x120xi32, #tpu.memory_space<vmem>>
    %dma_start3A_65 = tpu.memref_squeeze %dma_start3A_64 : memref<1x2x120xi32, #tpu.memory_space<vmem>> -> memref<2x120xi32, #tpu.memory_space<vmem>>
    %dma_start3A_66 = arith.constant 0 : i32
    %dma_start3A_67 = arith.constant 0 : i32
    %dma_start3A_68 = tpu.memref_slice %arg3[%add3A_60, %dma_start3A_66, %dma_start3A_67] : memref<2688x2x120xi32, #tpu.memory_space<hbm>> -> memref<1x2x120xi32, #tpu.memory_space<hbm>>
    %dma_start3A_69 = tpu.memref_squeeze %dma_start3A_68 : memref<1x2x120xi32, #tpu.memory_space<hbm>> -> memref<2x120xi32, #tpu.memory_space<hbm>>
    %dma_start3A_70 = arith.constant 0 : i32
    %dma_start3A_71 = arith.constant 0 : i32
    %dma_start3A_72 = tpu.memref_slice %arg6[%dma_start3A_61, %dma_start3A_70, %dma_start3A_71] : memref<6x2x120xi32, #tpu.memory_space<vmem>> -> memref<1x2x120xi32, #tpu.memory_space<vmem>>
    %dma_start3A_73 = tpu.memref_squeeze %dma_start3A_72 : memref<1x2x120xi32, #tpu.memory_space<vmem>> -> memref<2x120xi32, #tpu.memory_space<vmem>>
    %dma_start3A_74 = arith.constant 0 : i32
    %dma_start3A_75 = arith.constant 0 : i32
    %dma_start3A_76 = tpu.memref_slice %arg3[%add3A_60, %dma_start3A_74, %dma_start3A_75] : memref<2688x2x120xi32, #tpu.memory_space<hbm>> -> memref<1x2x120xi32, #tpu.memory_space<hbm>>
    %dma_start3A_77 = tpu.memref_squeeze %dma_start3A_76 : memref<1x2x120xi32, #tpu.memory_space<hbm>> -> memref<2x120xi32, #tpu.memory_space<hbm>>
    tpu.enqueue_dma source(%dma_start3A_77 : memref<2x120xi32, #tpu.memory_space<hbm>>) target(%dma_start3A_73 : memref<2x120xi32, #tpu.memory_space<vmem>>) target_semaphore(%arg12 : memref<!tpu.dma_semaphore, #tpu.memory_space<semaphore_mem>>)
    %add3A_78 = arith.constant 4 : i32
    %add3A_79 = arith.addi %mul3A_2, %add3A_78 : i32
    %dma_start3A_80 = arith.constant 4 : i32
    %dma_start3A_81 = arith.constant 0 : i32
    %dma_start3A_82 = arith.constant 0 : i32
    %dma_start3A_83 = tpu.memref_slice %arg6[%dma_start3A_80, %dma_start3A_81, %dma_start3A_82] : memref<6x2x120xi32, #tpu.memory_space<vmem>> -> memref<1x2x120xi32, #tpu.memory_space<vmem>>
    %dma_start3A_84 = tpu.memref_squeeze %dma_start3A_83 : memref<1x2x120xi32, #tpu.memory_space<vmem>> -> memref<2x120xi32, #tpu.memory_space<vmem>>
    %dma_start3A_85 = arith.constant 0 : i32
    %dma_start3A_86 = arith.constant 0 : i32
    %dma_start3A_87 = tpu.memref_slice %arg3[%add3A_79, %dma_start3A_85, %dma_start3A_86] : memref<2688x2x120xi32, #tpu.memory_space<hbm>> -> memref<1x2x120xi32, #tpu.memory_space<hbm>>
    %dma_start3A_88 = tpu.memref_squeeze %dma_start3A_87 : memref<1x2x120xi32, #tpu.memory_space<hbm>> -> memref<2x120xi32, #tpu.memory_space<hbm>>
    %dma_start3A_89 = arith.constant 0 : i32
    %dma_start3A_90 = arith.constant 0 : i32
    %dma_start3A_91 = tpu.memref_slice %arg6[%dma_start3A_80, %dma_start3A_89, %dma_start3A_90] : memref<6x2x120xi32, #tpu.memory_space<vmem>> -> memref<1x2x120xi32, #tpu.memory_space<vmem>>
    %dma_start3A_92 = tpu.memref_squeeze %dma_start3A_91 : memref<1x2x120xi32, #tpu.memory_space<vmem>> -> memref<2x120xi32, #tpu.memory_space<vmem>>
    %dma_start3A_93 = arith.constant 0 : i32
    %dma_start3A_94 = arith.constant 0 : i32
    %dma_start3A_95 = tpu.memref_slice %arg3[%add3A_79, %dma_start3A_93, %dma_start3A_94] : memref<2688x2x120xi32, #tpu.memory_space<hbm>> -> memref<1x2x120xi32, #tpu.memory_space<hbm>>
    %dma_start3A_96 = tpu.memref_squeeze %dma_start3A_95 : memref<1x2x120xi32, #tpu.memory_space<hbm>> -> memref<2x120xi32, #tpu.memory_space<hbm>>
    tpu.enqueue_dma source(%dma_start3A_96 : memref<2x120xi32, #tpu.memory_space<hbm>>) target(%dma_start3A_92 : memref<2x120xi32, #tpu.memory_space<vmem>>) target_semaphore(%arg13 : memref<!tpu.dma_semaphore, #tpu.memory_space<semaphore_mem>>)
    %add3A_97 = arith.constant 5 : i32
    %add3A_98 = arith.addi %mul3A_2, %add3A_97 : i32
    %dma_start3A_99 = arith.constant 5 : i32
    %dma_start3A_100 = arith.constant 0 : i32
    %dma_start3A_101 = arith.constant 0 : i32
    %dma_start3A_102 = tpu.memref_slice %arg6[%dma_start3A_99, %dma_start3A_100, %dma_start3A_101] : memref<6x2x120xi32, #tpu.memory_space<vmem>> -> memref<1x2x120xi32, #tpu.memory_space<vmem>>
    %dma_start3A_103 = tpu.memref_squeeze %dma_start3A_102 : memref<1x2x120xi32, #tpu.memory_space<vmem>> -> memref<2x120xi32, #tpu.memory_space<vmem>>
    %dma_start3A_104 = arith.constant 0 : i32
    %dma_start3A_105 = arith.constant 0 : i32
    %dma_start3A_106 = tpu.memref_slice %arg3[%add3A_98, %dma_start3A_104, %dma_start3A_105] : memref<2688x2x120xi32, #tpu.memory_space<hbm>> -> memref<1x2x120xi32, #tpu.memory_space<hbm>>
    %dma_start3A_107 = tpu.memref_squeeze %dma_start3A_106 : memref<1x2x120xi32, #tpu.memory_space<hbm>> -> memref<2x120xi32, #tpu.memory_space<hbm>>
    %dma_start3A_108 = arith.constant 0 : i32
    %dma_start3A_109 = arith.constant 0 : i32
    %dma_start3A_110 = tpu.memref_slice %arg6[%dma_start3A_99, %dma_start3A_108, %dma_start3A_109] : memref<6x2x120xi32, #tpu.memory_space<vmem>> -> memref<1x2x120xi32, #tpu.memory_space<vmem>>
    %dma_start3A_111 = tpu.memref_squeeze %dma_start3A_110 : memref<1x2x120xi32, #tpu.memory_space<vmem>> -> memref<2x120xi32, #tpu.memory_space<vmem>>
    %dma_start3A_112 = arith.constant 0 : i32
    %dma_start3A_113 = arith.constant 0 : i32
    %dma_start3A_114 = tpu.memref_slice %arg3[%add3A_98, %dma_start3A_112, %dma_start3A_113] : memref<2688x2x120xi32, #tpu.memory_space<hbm>> -> memref<1x2x120xi32, #tpu.memory_space<hbm>>
    %dma_start3A_115 = tpu.memref_squeeze %dma_start3A_114 : memref<1x2x120xi32, #tpu.memory_space<hbm>> -> memref<2x120xi32, #tpu.memory_space<hbm>>
    tpu.enqueue_dma source(%dma_start3A_115 : memref<2x120xi32, #tpu.memory_space<hbm>>) target(%dma_start3A_111 : memref<2x120xi32, #tpu.memory_space<vmem>>) target_semaphore(%arg14 : memref<!tpu.dma_semaphore, #tpu.memory_space<semaphore_mem>>)
    %mul3A_116 = arith.constant 624 : i32
    %mul3A_117 = arith.muli %arg1, %mul3A_116 : i32
    "tpu.region"() ({
      %run_scoped3A = tpu.sem_alloc : memref<!tpu.dma_semaphore, #tpu.memory_space<semaphore_mem>>
      %dma_start3A_225 = arith.constant 0 : i32
      %dma_start3A_226 = tpu.memref_slice %arg8[%mul3A_117, %dma_start3A_225] : memref<10000x128xf32, #tpu.memory_space<vmem_shared>> -> memref<624x128xf32, #tpu.memory_space<vmem_shared>>
      %dma_start3A_227 = arith.constant 0 : i32
      %dma_start3A_228 = arith.constant 0 : i32
      %dma_start3A_229 = tpu.memref_slice %arg4[%arg0, %dma_start3A_227, %dma_start3A_228] : memref<2x640x128xf32, #tpu.memory_space<hbm>> -> memref<1x624x128xf32, #tpu.memory_space<hbm>>
      %dma_start3A_230 = tpu.memref_squeeze %dma_start3A_229 : memref<1x624x128xf32, #tpu.memory_space<hbm>> -> memref<624x128xf32, #tpu.memory_space<hbm>>
      tpu.enqueue_dma source(%dma_start3A_230 : memref<624x128xf32, #tpu.memory_space<hbm>>) target(%dma_start3A_226 : memref<624x128xf32, #tpu.memory_space<vmem_shared>>) target_semaphore(%run_scoped3A : memref<!tpu.dma_semaphore, #tpu.memory_space<semaphore_mem>>)
      %dma_wait3A_231 = arith.constant 0 : i32
      %dma_wait3A_232 = tpu.memref_slice %arg8[%mul3A_117, %dma_wait3A_231] : memref<10000x128xf32, #tpu.memory_space<vmem_shared>> -> memref<624x128xf32, #tpu.memory_space<vmem_shared>>
      %dma_wait3A_233 = arith.constant 0 : i32
      %dma_wait3A_234 = arith.constant 0 : i32
      %dma_wait3A_235 = tpu.memref_slice %arg4[%arg0, %dma_wait3A_233, %dma_wait3A_234] : memref<2x640x128xf32, #tpu.memory_space<hbm>> -> memref<1x624x128xf32, #tpu.memory_space<hbm>>
      %dma_wait3A_236 = tpu.memref_squeeze %dma_wait3A_235 : memref<1x624x128xf32, #tpu.memory_space<hbm>> -> memref<624x128xf32, #tpu.memory_space<hbm>>
      tpu.wait_dma2 semaphore(%run_scoped3A : memref<!tpu.dma_semaphore, #tpu.memory_space<semaphore_mem>>) src(%dma_wait3A_236 : memref<624x128xf32, #tpu.memory_space<hbm>>) dst(%dma_wait3A_232 : memref<624x128xf32, #tpu.memory_space<vmem_shared>>)
      tpu.yield
    }) : () -> ()
    %eq3A = arith.constant 15 : i32
    %eq3A_118 = arith.cmpi eq, %arg1, %eq3A : i32
    %convert_element_type3A = arith.extui %eq3A_118 : i1 to i32
    %cond3A = arith.constant 0 : i32
    %cond3A_119 = arith.cmpi ne, %convert_element_type3A, %cond3A : i32
    scf.if %cond3A_119 {
      "tpu.region"() ({
        %run_scoped3A = tpu.sem_alloc : memref<!tpu.dma_semaphore, #tpu.memory_space<semaphore_mem>>
        %dma_start3A_225 = arith.constant 9984 : i32
        %dma_start3A_226 = arith.constant 0 : i32
        %dma_start3A_227 = tpu.memref_slice %arg8[%dma_start3A_225, %dma_start3A_226] : memref<10000x128xf32, #tpu.memory_space<vmem_shared>> -> memref<16x128xf32, #tpu.memory_space<vmem_shared>>
        %dma_start3A_228 = arith.constant 624 : i32
        %dma_start3A_229 = arith.constant 0 : i32
        %dma_start3A_230 = tpu.memref_slice %arg4[%arg0, %dma_start3A_228, %dma_start3A_229] : memref<2x640x128xf32, #tpu.memory_space<hbm>> -> memref<1x16x128xf32, #tpu.memory_space<hbm>>
        %dma_start3A_231 = tpu.memref_squeeze %dma_start3A_230 : memref<1x16x128xf32, #tpu.memory_space<hbm>> -> memref<16x128xf32, #tpu.memory_space<hbm>>
        tpu.enqueue_dma source(%dma_start3A_231 : memref<16x128xf32, #tpu.memory_space<hbm>>) target(%dma_start3A_227 : memref<16x128xf32, #tpu.memory_space<vmem_shared>>) target_semaphore(%run_scoped3A : memref<!tpu.dma_semaphore, #tpu.memory_space<semaphore_mem>>)
        %dma_wait3A_232 = arith.constant 9984 : i32
        %dma_wait3A_233 = arith.constant 0 : i32
        %dma_wait3A_234 = tpu.memref_slice %arg8[%dma_wait3A_232, %dma_wait3A_233] : memref<10000x128xf32, #tpu.memory_space<vmem_shared>> -> memref<16x128xf32, #tpu.memory_space<vmem_shared>>
        %dma_wait3A_235 = arith.constant 624 : i32
        %dma_wait3A_236 = arith.constant 0 : i32
        %dma_wait3A_237 = tpu.memref_slice %arg4[%arg0, %dma_wait3A_235, %dma_wait3A_236] : memref<2x640x128xf32, #tpu.memory_space<hbm>> -> memref<1x16x128xf32, #tpu.memory_space<hbm>>
        %dma_wait3A_238 = tpu.memref_squeeze %dma_wait3A_237 : memref<1x16x128xf32, #tpu.memory_space<hbm>> -> memref<16x128xf32, #tpu.memory_space<hbm>>
        tpu.wait_dma2 semaphore(%run_scoped3A : memref<!tpu.dma_semaphore, #tpu.memory_space<semaphore_mem>>) src(%dma_wait3A_238 : memref<16x128xf32, #tpu.memory_space<hbm>>) dst(%dma_wait3A_234 : memref<16x128xf32, #tpu.memory_space<vmem_shared>>)
        tpu.yield
      }) : () -> ()
    } else {
    }
    %barrier3A = arith.constant 0 : index
    tpu.barrier barrier_id(%barrier3A)
    %add3A_120 = arith.constant 0 : i32
    %add3A_121 = arith.addi %mul3A_2, %add3A_120 : i32
    %dma_wait3A = arith.constant 0 : i32
    %dma_wait3A_122 = arith.constant 0 : i32
    %dma_wait3A_123 = arith.constant 0 : i32
    %dma_wait3A_124 = tpu.memref_slice %arg6[%dma_wait3A, %dma_wait3A_122, %dma_wait3A_123] : memref<6x2x120xi32, #tpu.memory_space<vmem>> -> memref<1x2x120xi32, #tpu.memory_space<vmem>>
    %dma_wait3A_125 = tpu.memref_squeeze %dma_wait3A_124 : memref<1x2x120xi32, #tpu.memory_space<vmem>> -> memref<2x120xi32, #tpu.memory_space<vmem>>
    %dma_wait3A_126 = arith.constant 0 : i32
    %dma_wait3A_127 = arith.constant 0 : i32
    %dma_wait3A_128 = tpu.memref_slice %arg3[%add3A_121, %dma_wait3A_126, %dma_wait3A_127] : memref<2688x2x120xi32, #tpu.memory_space<hbm>> -> memref<1x2x120xi32, #tpu.memory_space<hbm>>
    %dma_wait3A_129 = tpu.memref_squeeze %dma_wait3A_128 : memref<1x2x120xi32, #tpu.memory_space<hbm>> -> memref<2x120xi32, #tpu.memory_space<hbm>>
    %dma_wait3A_130 = arith.constant 0 : i32
    %dma_wait3A_131 = arith.constant 0 : i32
    %dma_wait3A_132 = tpu.memref_slice %arg6[%dma_wait3A, %dma_wait3A_130, %dma_wait3A_131] : memref<6x2x120xi32, #tpu.memory_space<vmem>> -> memref<1x2x120xi32, #tpu.memory_space<vmem>>
    %dma_wait3A_133 = tpu.memref_squeeze %dma_wait3A_132 : memref<1x2x120xi32, #tpu.memory_space<vmem>> -> memref<2x120xi32, #tpu.memory_space<vmem>>
    %dma_wait3A_134 = arith.constant 0 : i32
    %dma_wait3A_135 = arith.constant 0 : i32
    %dma_wait3A_136 = tpu.memref_slice %arg3[%add3A_121, %dma_wait3A_134, %dma_wait3A_135] : memref<2688x2x120xi32, #tpu.memory_space<hbm>> -> memref<1x2x120xi32, #tpu.memory_space<hbm>>
    %dma_wait3A_137 = tpu.memref_squeeze %dma_wait3A_136 : memref<1x2x120xi32, #tpu.memory_space<hbm>> -> memref<2x120xi32, #tpu.memory_space<hbm>>
    tpu.wait_dma2 semaphore(%arg9 : memref<!tpu.dma_semaphore, #tpu.memory_space<semaphore_mem>>) src(%dma_wait3A_137 : memref<2x120xi32, #tpu.memory_space<hbm>>) dst(%dma_wait3A_133 : memref<2x120xi32, #tpu.memory_space<vmem>>)
    %dma_start3A_138 = arith.constant 0 : i32
    %dma_start3A_139 = arith.constant 0 : i32
    %dma_start3A_140 = arith.constant 0 : i32
    %dma_start3A_141 = arith.constant 0 : i32
    %dma_start3A_142 = arith.constant 0 : i32
    %dma_start3A_143 = tpu.memref_slice %arg7[%dma_start3A_140, %dma_start3A_141, %dma_start3A_142] : memref<3x120x128xf32, #tpu.memory_space<vmem>> -> memref<1x120x128xf32, #tpu.memory_space<vmem>>
    %dma_start3A_144 = tpu.memref_squeeze %dma_start3A_143 : memref<1x120x128xf32, #tpu.memory_space<vmem>> -> memref<120x128xf32, #tpu.memory_space<vmem>>
    %dma_start3A_145 = arith.constant 0 : i32
    %dma_start3A_146 = tpu.memref_slice %arg6[%dma_start3A_138, %dma_start3A_139, %dma_start3A_145] : memref<6x2x120xi32, #tpu.memory_space<vmem>> -> memref<1x1x120xi32, #tpu.memory_space<vmem>>
    %dma_start3A_147 = tpu.memref_squeeze %dma_start3A_146 : memref<1x1x120xi32, #tpu.memory_space<vmem>> -> memref<120xi32, #tpu.memory_space<vmem>>
    %dma_start3A_148 = arith.constant 0 : i32
    %dma_start3A_149 = arith.constant 0 : i32
    %dma_start3A_150 = tpu.memref_slice %arg2[%dma_start3A_148, %dma_start3A_149] : memref<10128x128xf32, #tpu.memory_space<hbm>> -> memref<10128x128xf32, #tpu.memory_space<hbm>>
    tpu.enqueue_indirect_dma source(%dma_start3A_150 : memref<10128x128xf32, #tpu.memory_space<hbm>>) target(%dma_start3A_144 : memref<120x128xf32, #tpu.memory_space<vmem>>) offsets(%dma_start3A_147 : memref<120xi32, #tpu.memory_space<vmem>>) semaphore(%arg15 : memref<!tpu.dma_semaphore, #tpu.memory_space<semaphore_mem>>)
    %add3A_151 = arith.constant 1 : i32
    %add3A_152 = arith.addi %mul3A_2, %add3A_151 : i32
    %dma_wait3A_153 = arith.constant 1 : i32
    %dma_wait3A_154 = arith.constant 0 : i32
    %dma_wait3A_155 = arith.constant 0 : i32
    %dma_wait3A_156 = tpu.memref_slice %arg6[%dma_wait3A_153, %dma_wait3A_154, %dma_wait3A_155] : memref<6x2x120xi32, #tpu.memory_space<vmem>> -> memref<1x2x120xi32, #tpu.memory_space<vmem>>
    %dma_wait3A_157 = tpu.memref_squeeze %dma_wait3A_156 : memref<1x2x120xi32, #tpu.memory_space<vmem>> -> memref<2x120xi32, #tpu.memory_space<vmem>>
    %dma_wait3A_158 = arith.constant 0 : i32
    %dma_wait3A_159 = arith.constant 0 : i32
    %dma_wait3A_160 = tpu.memref_slice %arg3[%add3A_152, %dma_wait3A_158, %dma_wait3A_159] : memref<2688x2x120xi32, #tpu.memory_space<hbm>> -> memref<1x2x120xi32, #tpu.memory_space<hbm>>
    %dma_wait3A_161 = tpu.memref_squeeze %dma_wait3A_160 : memref<1x2x120xi32, #tpu.memory_space<hbm>> -> memref<2x120xi32, #tpu.memory_space<hbm>>
    %dma_wait3A_162 = arith.constant 0 : i32
    %dma_wait3A_163 = arith.constant 0 : i32
    %dma_wait3A_164 = tpu.memref_slice %arg6[%dma_wait3A_153, %dma_wait3A_162, %dma_wait3A_163] : memref<6x2x120xi32, #tpu.memory_space<vmem>> -> memref<1x2x120xi32, #tpu.memory_space<vmem>>
    %dma_wait3A_165 = tpu.memref_squeeze %dma_wait3A_164 : memref<1x2x120xi32, #tpu.memory_space<vmem>> -> memref<2x120xi32, #tpu.memory_space<vmem>>
    %dma_wait3A_166 = arith.constant 0 : i32
    %dma_wait3A_167 = arith.constant 0 : i32
    %dma_wait3A_168 = tpu.memref_slice %arg3[%add3A_152, %dma_wait3A_166, %dma_wait3A_167] : memref<2688x2x120xi32, #tpu.memory_space<hbm>> -> memref<1x2x120xi32, #tpu.memory_space<hbm>>
    %dma_wait3A_169 = tpu.memref_squeeze %dma_wait3A_168 : memref<1x2x120xi32, #tpu.memory_space<hbm>> -> memref<2x120xi32, #tpu.memory_space<hbm>>
    tpu.wait_dma2 semaphore(%arg10 : memref<!tpu.dma_semaphore, #tpu.memory_space<semaphore_mem>>) src(%dma_wait3A_169 : memref<2x120xi32, #tpu.memory_space<hbm>>) dst(%dma_wait3A_165 : memref<2x120xi32, #tpu.memory_space<vmem>>)
    %dma_start3A_170 = arith.constant 1 : i32
    %dma_start3A_171 = arith.constant 0 : i32
    %dma_start3A_172 = arith.constant 1 : i32
    %dma_start3A_173 = arith.constant 0 : i32
    %dma_start3A_174 = arith.constant 0 : i32
    %dma_start3A_175 = tpu.memref_slice %arg7[%dma_start3A_172, %dma_start3A_173, %dma_start3A_174] : memref<3x120x128xf32, #tpu.memory_space<vmem>> -> memref<1x120x128xf32, #tpu.memory_space<vmem>>
    %dma_start3A_176 = tpu.memref_squeeze %dma_start3A_175 : memref<1x120x128xf32, #tpu.memory_space<vmem>> -> memref<120x128xf32, #tpu.memory_space<vmem>>
    %dma_start3A_177 = arith.constant 0 : i32
    %dma_start3A_178 = tpu.memref_slice %arg6[%dma_start3A_170, %dma_start3A_171, %dma_start3A_177] : memref<6x2x120xi32, #tpu.memory_space<vmem>> -> memref<1x1x120xi32, #tpu.memory_space<vmem>>
    %dma_start3A_179 = tpu.memref_squeeze %dma_start3A_178 : memref<1x1x120xi32, #tpu.memory_space<vmem>> -> memref<120xi32, #tpu.memory_space<vmem>>
    %dma_start3A_180 = arith.constant 0 : i32
    %dma_start3A_181 = arith.constant 0 : i32
    %dma_start3A_182 = tpu.memref_slice %arg2[%dma_start3A_180, %dma_start3A_181] : memref<10128x128xf32, #tpu.memory_space<hbm>> -> memref<10128x128xf32, #tpu.memory_space<hbm>>
    tpu.enqueue_indirect_dma source(%dma_start3A_182 : memref<10128x128xf32, #tpu.memory_space<hbm>>) target(%dma_start3A_176 : memref<120x128xf32, #tpu.memory_space<vmem>>) offsets(%dma_start3A_179 : memref<120xi32, #tpu.memory_space<vmem>>) semaphore(%arg16 : memref<!tpu.dma_semaphore, #tpu.memory_space<semaphore_mem>>)
    %add3A_183 = arith.constant 2 : i32
    %add3A_184 = arith.addi %mul3A_2, %add3A_183 : i32
    %dma_wait3A_185 = arith.constant 2 : i32
    %dma_wait3A_186 = arith.constant 0 : i32
    %dma_wait3A_187 = arith.constant 0 : i32
    %dma_wait3A_188 = tpu.memref_slice %arg6[%dma_wait3A_185, %dma_wait3A_186, %dma_wait3A_187] : memref<6x2x120xi32, #tpu.memory_space<vmem>> -> memref<1x2x120xi32, #tpu.memory_space<vmem>>
    %dma_wait3A_189 = tpu.memref_squeeze %dma_wait3A_188 : memref<1x2x120xi32, #tpu.memory_space<vmem>> -> memref<2x120xi32, #tpu.memory_space<vmem>>
    %dma_wait3A_190 = arith.constant 0 : i32
    %dma_wait3A_191 = arith.constant 0 : i32
    %dma_wait3A_192 = tpu.memref_slice %arg3[%add3A_184, %dma_wait3A_190, %dma_wait3A_191] : memref<2688x2x120xi32, #tpu.memory_space<hbm>> -> memref<1x2x120xi32, #tpu.memory_space<hbm>>
    %dma_wait3A_193 = tpu.memref_squeeze %dma_wait3A_192 : memref<1x2x120xi32, #tpu.memory_space<hbm>> -> memref<2x120xi32, #tpu.memory_space<hbm>>
    %dma_wait3A_194 = arith.constant 0 : i32
    %dma_wait3A_195 = arith.constant 0 : i32
    %dma_wait3A_196 = tpu.memref_slice %arg6[%dma_wait3A_185, %dma_wait3A_194, %dma_wait3A_195] : memref<6x2x120xi32, #tpu.memory_space<vmem>> -> memref<1x2x120xi32, #tpu.memory_space<vmem>>
    %dma_wait3A_197 = tpu.memref_squeeze %dma_wait3A_196 : memref<1x2x120xi32, #tpu.memory_space<vmem>> -> memref<2x120xi32, #tpu.memory_space<vmem>>
    %dma_wait3A_198 = arith.constant 0 : i32
    %dma_wait3A_199 = arith.constant 0 : i32
    %dma_wait3A_200 = tpu.memref_slice %arg3[%add3A_184, %dma_wait3A_198, %dma_wait3A_199] : memref<2688x2x120xi32, #tpu.memory_space<hbm>> -> memref<1x2x120xi32, #tpu.memory_space<hbm>>
    %dma_wait3A_201 = tpu.memref_squeeze %dma_wait3A_200 : memref<1x2x120xi32, #tpu.memory_space<hbm>> -> memref<2x120xi32, #tpu.memory_space<hbm>>
    tpu.wait_dma2 semaphore(%arg11 : memref<!tpu.dma_semaphore, #tpu.memory_space<semaphore_mem>>) src(%dma_wait3A_201 : memref<2x120xi32, #tpu.memory_space<hbm>>) dst(%dma_wait3A_197 : memref<2x120xi32, #tpu.memory_space<vmem>>)
    %dma_start3A_202 = arith.constant 2 : i32
    %dma_start3A_203 = arith.constant 0 : i32
    %dma_start3A_204 = arith.constant 2 : i32
    %dma_start3A_205 = arith.constant 0 : i32
    %dma_start3A_206 = arith.constant 0 : i32
    %dma_start3A_207 = tpu.memref_slice %arg7[%dma_start3A_204, %dma_start3A_205, %dma_start3A_206] : memref<3x120x128xf32, #tpu.memory_space<vmem>> -> memref<1x120x128xf32, #tpu.memory_space<vmem>>
    %dma_start3A_208 = tpu.memref_squeeze %dma_start3A_207 : memref<1x120x128xf32, #tpu.memory_space<vmem>> -> memref<120x128xf32, #tpu.memory_space<vmem>>
    %dma_start3A_209 = arith.constant 0 : i32
    %dma_start3A_210 = tpu.memref_slice %arg6[%dma_start3A_202, %dma_start3A_203, %dma_start3A_209] : memref<6x2x120xi32, #tpu.memory_space<vmem>> -> memref<1x1x120xi32, #tpu.memory_space<vmem>>
    %dma_start3A_211 = tpu.memref_squeeze %dma_start3A_210 : memref<1x1x120xi32, #tpu.memory_space<vmem>> -> memref<120xi32, #tpu.memory_space<vmem>>
    %dma_start3A_212 = arith.constant 0 : i32
    %dma_start3A_213 = arith.constant 0 : i32
    %dma_start3A_214 = tpu.memref_slice %arg2[%dma_start3A_212, %dma_start3A_213] : memref<10128x128xf32, #tpu.memory_space<hbm>> -> memref<10128x128xf32, #tpu.memory_space<hbm>>
    tpu.enqueue_indirect_dma source(%dma_start3A_214 : memref<10128x128xf32, #tpu.memory_space<hbm>>) target(%dma_start3A_208 : memref<120x128xf32, #tpu.memory_space<vmem>>) offsets(%dma_start3A_211 : memref<120xi32, #tpu.memory_space<vmem>>) semaphore(%arg17 : memref<!tpu.dma_semaphore, #tpu.memory_space<semaphore_mem>>)
    %scan3A = arith.constant 0 : i32
    %scan3A_215 = arith.constant 14 : i32
    %scan3A_216 = arith.addi %scan3A, %scan3A_215 : i32
    %scan3A_217 = arith.constant 1 : i32
    scf.for %scan3A_225 = %scan3A to %scan3A_216 step %scan3A_217  : i32 {
      %mul3A_226 = arith.constant 1 : i32
      %mul3A_227 = arith.muli %scan3A_225, %mul3A_226 : i32
      %add3A_228 = arith.constant 0 : i32
      %add3A_229 = arith.addi %add3A_228, %mul3A_227 : i32
      %mul3A_230 = arith.constant 6 : i32
      %mul3A_231 = arith.muli %add3A_229, %mul3A_230 : i32
      %add3A_232 = arith.constant 0 : i32
      %add3A_233 = arith.addi %mul3A_231, %add3A_232 : i32
      %dma_wait3A_234 = arith.constant 0 : i32
      %dma_wait3A_235 = arith.constant 0 : i32
      %dma_wait3A_236 = arith.constant 0 : i32
      %dma_wait3A_237 = arith.constant 0 : i32
      %dma_wait3A_238 = arith.constant 0 : i32
      %dma_wait3A_239 = tpu.memref_slice %arg7[%dma_wait3A_236, %dma_wait3A_237, %dma_wait3A_238] : memref<3x120x128xf32, #tpu.memory_space<vmem>> -> memref<1x120x128xf32, #tpu.memory_space<vmem>>
      %dma_wait3A_240 = tpu.memref_squeeze %dma_wait3A_239 : memref<1x120x128xf32, #tpu.memory_space<vmem>> -> memref<120x128xf32, #tpu.memory_space<vmem>>
      %dma_wait3A_241 = arith.constant 0 : i32
      %dma_wait3A_242 = tpu.memref_slice %arg6[%dma_wait3A_234, %dma_wait3A_235, %dma_wait3A_241] : memref<6x2x120xi32, #tpu.memory_space<vmem>> -> memref<1x1x120xi32, #tpu.memory_space<vmem>>
      %dma_wait3A_243 = tpu.memref_squeeze %dma_wait3A_242 : memref<1x1x120xi32, #tpu.memory_space<vmem>> -> memref<120xi32, #tpu.memory_space<vmem>>
      %dma_wait3A_244 = arith.constant 0 : i32
      %dma_wait3A_245 = arith.constant 0 : i32
      %dma_wait3A_246 = tpu.memref_slice %arg2[%dma_wait3A_244, %dma_wait3A_245] : memref<10128x128xf32, #tpu.memory_space<hbm>> -> memref<10128x128xf32, #tpu.memory_space<hbm>>
      tpu.wait_indirect_dma semaphore(%arg15 : memref<!tpu.dma_semaphore, #tpu.memory_space<semaphore_mem>>) src(%dma_wait3A_246 : memref<10128x128xf32, #tpu.memory_space<hbm>>) dst(%dma_wait3A_240 : memref<120x128xf32, #tpu.memory_space<vmem>>)
      %run_scoped3A = arith.constant 0 : i32
      %run_scoped3A_247 = arith.constant 0 : i32
      %run_scoped3A_248 = arith.constant 1 : i32
      "tpu.region"() ({
        %run_scoped3A_432 = tpu.sem_alloc : memref<!tpu.dma_semaphore, #tpu.memory_space<semaphore_mem>>
        %dma_start3A_433 = arith.constant 0 : i32
        %dma_start3A_434 = arith.constant 0 : i32
        %dma_start3A_435 = tpu.memref_slice %arg7[%run_scoped3A, %dma_start3A_433, %dma_start3A_434] : memref<3x120x128xf32, #tpu.memory_space<vmem>> -> memref<1x120x128xf32, #tpu.memory_space<vmem>>
        %dma_start3A_436 = tpu.memref_squeeze %dma_start3A_435 : memref<1x120x128xf32, #tpu.memory_space<vmem>> -> memref<120x128xf32, #tpu.memory_space<vmem>>
        %dma_start3A_437 = arith.constant 0 : i32
        %dma_start3A_438 = tpu.memref_slice %arg6[%run_scoped3A_247, %run_scoped3A_248, %dma_start3A_437] : memref<6x2x120xi32, #tpu.memory_space<vmem>> -> memref<1x1x120xi32, #tpu.memory_space<vmem>>
        %dma_start3A_439 = tpu.memref_squeeze %dma_start3A_438 : memref<1x1x120xi32, #tpu.memory_space<vmem>> -> memref<120xi32, #tpu.memory_space<vmem>>
        %dma_start3A_440 = arith.constant 0 : i32
        %dma_start3A_441 = arith.constant 0 : i32
        %dma_start3A_442 = tpu.memref_slice %arg8[%dma_start3A_440, %dma_start3A_441] : memref<10000x128xf32, #tpu.memory_space<vmem_shared>> -> memref<10000x128xf32, #tpu.memory_space<vmem_shared>>
        tpu.enqueue_indirect_dma source(%dma_start3A_436 : memref<120x128xf32, #tpu.memory_space<vmem>>) target(%dma_start3A_442 : memref<10000x128xf32, #tpu.memory_space<vmem_shared>>) offsets(%dma_start3A_439 : memref<120xi32, #tpu.memory_space<vmem>>) semaphore(%run_scoped3A_432 : memref<!tpu.dma_semaphore, #tpu.memory_space<semaphore_mem>>) {add = true}
        %dma_wait3A_443 = arith.constant 0 : i32
        %dma_wait3A_444 = arith.constant 0 : i32
        %dma_wait3A_445 = tpu.memref_slice %arg7[%run_scoped3A, %dma_wait3A_443, %dma_wait3A_444] : memref<3x120x128xf32, #tpu.memory_space<vmem>> -> memref<1x120x128xf32, #tpu.memory_space<vmem>>
        %dma_wait3A_446 = tpu.memref_squeeze %dma_wait3A_445 : memref<1x120x128xf32, #tpu.memory_space<vmem>> -> memref<120x128xf32, #tpu.memory_space<vmem>>
        %dma_wait3A_447 = arith.constant 0 : i32
        %dma_wait3A_448 = tpu.memref_slice %arg6[%run_scoped3A_247, %run_scoped3A_248, %dma_wait3A_447] : memref<6x2x120xi32, #tpu.memory_space<vmem>> -> memref<1x1x120xi32, #tpu.memory_space<vmem>>
        %dma_wait3A_449 = tpu.memref_squeeze %dma_wait3A_448 : memref<1x1x120xi32, #tpu.memory_space<vmem>> -> memref<120xi32, #tpu.memory_space<vmem>>
        %dma_wait3A_450 = arith.constant 0 : i32
        %dma_wait3A_451 = arith.constant 0 : i32
        %dma_wait3A_452 = tpu.memref_slice %arg8[%dma_wait3A_450, %dma_wait3A_451] : memref<10000x128xf32, #tpu.memory_space<vmem_shared>> -> memref<10000x128xf32, #tpu.memory_space<vmem_shared>>
        tpu.wait_indirect_dma semaphore(%run_scoped3A_432 : memref<!tpu.dma_semaphore, #tpu.memory_space<semaphore_mem>>) src(%dma_wait3A_446 : memref<120x128xf32, #tpu.memory_space<vmem>>) dst(%dma_wait3A_452 : memref<10000x128xf32, #tpu.memory_space<vmem_shared>>)
        tpu.yield
      }) : () -> ()
      %add3A_249 = arith.constant 3 : i32
      %add3A_250 = arith.addi %add3A_233, %add3A_249 : i32
      %lt3A = arith.constant 84 : i32
      %lt3A_251 = arith.cmpi slt, %add3A_250, %lt3A : i32
      %convert_element_type3A_252 = arith.extui %lt3A_251 : i1 to i32
      %cond3A_253 = arith.constant 0 : i32
      %cond3A_254 = arith.cmpi ne, %convert_element_type3A_252, %cond3A_253 : i32
      scf.if %cond3A_254 {
        %add3A_432 = arith.constant 3 : i32
        %add3A_433 = arith.addi %add3A_233, %add3A_432 : i32
        %add3A_434 = arith.addi %mul3A_2, %add3A_433 : i32
        %dma_wait3A_435 = arith.constant 3 : i32
        %dma_wait3A_436 = arith.constant 0 : i32
        %dma_wait3A_437 = arith.constant 0 : i32
        %dma_wait3A_438 = tpu.memref_slice %arg6[%dma_wait3A_435, %dma_wait3A_436, %dma_wait3A_437] : memref<6x2x120xi32, #tpu.memory_space<vmem>> -> memref<1x2x120xi32, #tpu.memory_space<vmem>>
        %dma_wait3A_439 = tpu.memref_squeeze %dma_wait3A_438 : memref<1x2x120xi32, #tpu.memory_space<vmem>> -> memref<2x120xi32, #tpu.memory_space<vmem>>
        %dma_wait3A_440 = arith.constant 0 : i32
        %dma_wait3A_441 = arith.constant 0 : i32
        %dma_wait3A_442 = tpu.memref_slice %arg3[%add3A_434, %dma_wait3A_440, %dma_wait3A_441] : memref<2688x2x120xi32, #tpu.memory_space<hbm>> -> memref<1x2x120xi32, #tpu.memory_space<hbm>>
        %dma_wait3A_443 = tpu.memref_squeeze %dma_wait3A_442 : memref<1x2x120xi32, #tpu.memory_space<hbm>> -> memref<2x120xi32, #tpu.memory_space<hbm>>
        %dma_wait3A_444 = arith.constant 0 : i32
        %dma_wait3A_445 = arith.constant 0 : i32
        %dma_wait3A_446 = tpu.memref_slice %arg6[%dma_wait3A_435, %dma_wait3A_444, %dma_wait3A_445] : memref<6x2x120xi32, #tpu.memory_space<vmem>> -> memref<1x2x120xi32, #tpu.memory_space<vmem>>
        %dma_wait3A_447 = tpu.memref_squeeze %dma_wait3A_446 : memref<1x2x120xi32, #tpu.memory_space<vmem>> -> memref<2x120xi32, #tpu.memory_space<vmem>>
        %dma_wait3A_448 = arith.constant 0 : i32
        %dma_wait3A_449 = arith.constant 0 : i32
        %dma_wait3A_450 = tpu.memref_slice %arg3[%add3A_434, %dma_wait3A_448, %dma_wait3A_449] : memref<2688x2x120xi32, #tpu.memory_space<hbm>> -> memref<1x2x120xi32, #tpu.memory_space<hbm>>
        %dma_wait3A_451 = tpu.memref_squeeze %dma_wait3A_450 : memref<1x2x120xi32, #tpu.memory_space<hbm>> -> memref<2x120xi32, #tpu.memory_space<hbm>>
        tpu.wait_dma2 semaphore(%arg12 : memref<!tpu.dma_semaphore, #tpu.memory_space<semaphore_mem>>) src(%dma_wait3A_451 : memref<2x120xi32, #tpu.memory_space<hbm>>) dst(%dma_wait3A_447 : memref<2x120xi32, #tpu.memory_space<vmem>>)
        %dma_start3A_452 = arith.constant 3 : i32
        %dma_start3A_453 = arith.constant 0 : i32
        %dma_start3A_454 = arith.constant 0 : i32
        %dma_start3A_455 = arith.constant 0 : i32
        %dma_start3A_456 = arith.constant 0 : i32
        %dma_start3A_457 = tpu.memref_slice %arg7[%dma_start3A_454, %dma_start3A_455, %dma_start3A_456] : memref<3x120x128xf32, #tpu.memory_space<vmem>> -> memref<1x120x128xf32, #tpu.memory_space<vmem>>
        %dma_start3A_458 = tpu.memref_squeeze %dma_start3A_457 : memref<1x120x128xf32, #tpu.memory_space<vmem>> -> memref<120x128xf32, #tpu.memory_space<vmem>>
        %dma_start3A_459 = arith.constant 0 : i32
        %dma_start3A_460 = tpu.memref_slice %arg6[%dma_start3A_452, %dma_start3A_453, %dma_start3A_459] : memref<6x2x120xi32, #tpu.memory_space<vmem>> -> memref<1x1x120xi32, #tpu.memory_space<vmem>>
        %dma_start3A_461 = tpu.memref_squeeze %dma_start3A_460 : memref<1x1x120xi32, #tpu.memory_space<vmem>> -> memref<120xi32, #tpu.memory_space<vmem>>
        %dma_start3A_462 = arith.constant 0 : i32
        %dma_start3A_463 = arith.constant 0 : i32
        %dma_start3A_464 = tpu.memref_slice %arg2[%dma_start3A_462, %dma_start3A_463] : memref<10128x128xf32, #tpu.memory_space<hbm>> -> memref<10128x128xf32, #tpu.memory_space<hbm>>
        tpu.enqueue_indirect_dma source(%dma_start3A_464 : memref<10128x128xf32, #tpu.memory_space<hbm>>) target(%dma_start3A_458 : memref<120x128xf32, #tpu.memory_space<vmem>>) offsets(%dma_start3A_461 : memref<120xi32, #tpu.memory_space<vmem>>) semaphore(%arg15 : memref<!tpu.dma_semaphore, #tpu.memory_space<semaphore_mem>>)
      } else {
      }
      %add3A_255 = arith.constant 6 : i32
      %add3A_256 = arith.addi %add3A_233, %add3A_255 : i32
      %lt3A_257 = arith.constant 84 : i32
      %lt3A_258 = arith.cmpi slt, %add3A_256, %lt3A_257 : i32
      %convert_element_type3A_259 = arith.extui %lt3A_258 : i1 to i32
      %cond3A_260 = arith.constant 0 : i32
      %cond3A_261 = arith.cmpi ne, %convert_element_type3A_259, %cond3A_260 : i32
      scf.if %cond3A_261 {
        %add3A_432 = arith.constant 6 : i32
        %add3A_433 = arith.addi %add3A_233, %add3A_432 : i32
        %add3A_434 = arith.addi %mul3A_2, %add3A_433 : i32
        %dma_start3A_435 = arith.constant 0 : i32
        %dma_start3A_436 = arith.constant 0 : i32
        %dma_start3A_437 = arith.constant 0 : i32
        %dma_start3A_438 = tpu.memref_slice %arg6[%dma_start3A_435, %dma_start3A_436, %dma_start3A_437] : memref<6x2x120xi32, #tpu.memory_space<vmem>> -> memref<1x2x120xi32, #tpu.memory_space<vmem>>
        %dma_start3A_439 = tpu.memref_squeeze %dma_start3A_438 : memref<1x2x120xi32, #tpu.memory_space<vmem>> -> memref<2x120xi32, #tpu.memory_space<vmem>>
        %dma_start3A_440 = arith.constant 0 : i32
        %dma_start3A_441 = arith.constant 0 : i32
        %dma_start3A_442 = tpu.memref_slice %arg3[%add3A_434, %dma_start3A_440, %dma_start3A_441] : memref<2688x2x120xi32, #tpu.memory_space<hbm>> -> memref<1x2x120xi32, #tpu.memory_space<hbm>>
        %dma_start3A_443 = tpu.memref_squeeze %dma_start3A_442 : memref<1x2x120xi32, #tpu.memory_space<hbm>> -> memref<2x120xi32, #tpu.memory_space<hbm>>
        %dma_start3A_444 = arith.constant 0 : i32
        %dma_start3A_445 = arith.constant 0 : i32
        %dma_start3A_446 = tpu.memref_slice %arg6[%dma_start3A_435, %dma_start3A_444, %dma_start3A_445] : memref<6x2x120xi32, #tpu.memory_space<vmem>> -> memref<1x2x120xi32, #tpu.memory_space<vmem>>
        %dma_start3A_447 = tpu.memref_squeeze %dma_start3A_446 : memref<1x2x120xi32, #tpu.memory_space<vmem>> -> memref<2x120xi32, #tpu.memory_space<vmem>>
        %dma_start3A_448 = arith.constant 0 : i32
        %dma_start3A_449 = arith.constant 0 : i32
        %dma_start3A_450 = tpu.memref_slice %arg3[%add3A_434, %dma_start3A_448, %dma_start3A_449] : memref<2688x2x120xi32, #tpu.memory_space<hbm>> -> memref<1x2x120xi32, #tpu.memory_space<hbm>>
        %dma_start3A_451 = tpu.memref_squeeze %dma_start3A_450 : memref<1x2x120xi32, #tpu.memory_space<hbm>> -> memref<2x120xi32, #tpu.memory_space<hbm>>
        tpu.enqueue_dma source(%dma_start3A_451 : memref<2x120xi32, #tpu.memory_space<hbm>>) target(%dma_start3A_447 : memref<2x120xi32, #tpu.memory_space<vmem>>) target_semaphore(%arg9 : memref<!tpu.dma_semaphore, #tpu.memory_space<semaphore_mem>>)
      } else {
      }
      %mul3A_262 = arith.constant 6 : i32
      %mul3A_263 = arith.muli %add3A_229, %mul3A_262 : i32
      %add3A_264 = arith.constant 1 : i32
      %add3A_265 = arith.addi %mul3A_263, %add3A_264 : i32
      %dma_wait3A_266 = arith.constant 1 : i32
      %dma_wait3A_267 = arith.constant 0 : i32
      %dma_wait3A_268 = arith.constant 1 : i32
      %dma_wait3A_269 = arith.constant 0 : i32
      %dma_wait3A_270 = arith.constant 0 : i32
      %dma_wait3A_271 = tpu.memref_slice %arg7[%dma_wait3A_268, %dma_wait3A_269, %dma_wait3A_270] : memref<3x120x128xf32, #tpu.memory_space<vmem>> -> memref<1x120x128xf32, #tpu.memory_space<vmem>>
      %dma_wait3A_272 = tpu.memref_squeeze %dma_wait3A_271 : memref<1x120x128xf32, #tpu.memory_space<vmem>> -> memref<120x128xf32, #tpu.memory_space<vmem>>
      %dma_wait3A_273 = arith.constant 0 : i32
      %dma_wait3A_274 = tpu.memref_slice %arg6[%dma_wait3A_266, %dma_wait3A_267, %dma_wait3A_273] : memref<6x2x120xi32, #tpu.memory_space<vmem>> -> memref<1x1x120xi32, #tpu.memory_space<vmem>>
      %dma_wait3A_275 = tpu.memref_squeeze %dma_wait3A_274 : memref<1x1x120xi32, #tpu.memory_space<vmem>> -> memref<120xi32, #tpu.memory_space<vmem>>
      %dma_wait3A_276 = arith.constant 0 : i32
      %dma_wait3A_277 = arith.constant 0 : i32
      %dma_wait3A_278 = tpu.memref_slice %arg2[%dma_wait3A_276, %dma_wait3A_277] : memref<10128x128xf32, #tpu.memory_space<hbm>> -> memref<10128x128xf32, #tpu.memory_space<hbm>>
      tpu.wait_indirect_dma semaphore(%arg16 : memref<!tpu.dma_semaphore, #tpu.memory_space<semaphore_mem>>) src(%dma_wait3A_278 : memref<10128x128xf32, #tpu.memory_space<hbm>>) dst(%dma_wait3A_272 : memref<120x128xf32, #tpu.memory_space<vmem>>)
      %run_scoped3A_279 = arith.constant 1 : i32
      %run_scoped3A_280 = arith.constant 1 : i32
      %run_scoped3A_281 = arith.constant 1 : i32
      "tpu.region"() ({
        %run_scoped3A_432 = tpu.sem_alloc : memref<!tpu.dma_semaphore, #tpu.memory_space<semaphore_mem>>
        %dma_start3A_433 = arith.constant 0 : i32
        %dma_start3A_434 = arith.constant 0 : i32
        %dma_start3A_435 = tpu.memref_slice %arg7[%run_scoped3A_279, %dma_start3A_433, %dma_start3A_434] : memref<3x120x128xf32, #tpu.memory_space<vmem>> -> memref<1x120x128xf32, #tpu.memory_space<vmem>>
        %dma_start3A_436 = tpu.memref_squeeze %dma_start3A_435 : memref<1x120x128xf32, #tpu.memory_space<vmem>> -> memref<120x128xf32, #tpu.memory_space<vmem>>
        %dma_start3A_437 = arith.constant 0 : i32
        %dma_start3A_438 = tpu.memref_slice %arg6[%run_scoped3A_280, %run_scoped3A_281, %dma_start3A_437] : memref<6x2x120xi32, #tpu.memory_space<vmem>> -> memref<1x1x120xi32, #tpu.memory_space<vmem>>
        %dma_start3A_439 = tpu.memref_squeeze %dma_start3A_438 : memref<1x1x120xi32, #tpu.memory_space<vmem>> -> memref<120xi32, #tpu.memory_space<vmem>>
        %dma_start3A_440 = arith.constant 0 : i32
        %dma_start3A_441 = arith.constant 0 : i32
        %dma_start3A_442 = tpu.memref_slice %arg8[%dma_start3A_440, %dma_start3A_441] : memref<10000x128xf32, #tpu.memory_space<vmem_shared>> -> memref<10000x128xf32, #tpu.memory_space<vmem_shared>>
        tpu.enqueue_indirect_dma source(%dma_start3A_436 : memref<120x128xf32, #tpu.memory_space<vmem>>) target(%dma_start3A_442 : memref<10000x128xf32, #tpu.memory_space<vmem_shared>>) offsets(%dma_start3A_439 : memref<120xi32, #tpu.memory_space<vmem>>) semaphore(%run_scoped3A_432 : memref<!tpu.dma_semaphore, #tpu.memory_space<semaphore_mem>>) {add = true}
        %dma_wait3A_443 = arith.constant 0 : i32
        %dma_wait3A_444 = arith.constant 0 : i32
        %dma_wait3A_445 = tpu.memref_slice %arg7[%run_scoped3A_279, %dma_wait3A_443, %dma_wait3A_444] : memref<3x120x128xf32, #tpu.memory_space<vmem>> -> memref<1x120x128xf32, #tpu.memory_space<vmem>>
        %dma_wait3A_446 = tpu.memref_squeeze %dma_wait3A_445 : memref<1x120x128xf32, #tpu.memory_space<vmem>> -> memref<120x128xf32, #tpu.memory_space<vmem>>
        %dma_wait3A_447 = arith.constant 0 : i32
        %dma_wait3A_448 = tpu.memref_slice %arg6[%run_scoped3A_280, %run_scoped3A_281, %dma_wait3A_447] : memref<6x2x120xi32, #tpu.memory_space<vmem>> -> memref<1x1x120xi32, #tpu.memory_space<vmem>>
        %dma_wait3A_449 = tpu.memref_squeeze %dma_wait3A_448 : memref<1x1x120xi32, #tpu.memory_space<vmem>> -> memref<120xi32, #tpu.memory_space<vmem>>
        %dma_wait3A_450 = arith.constant 0 : i32
        %dma_wait3A_451 = arith.constant 0 : i32
        %dma_wait3A_452 = tpu.memref_slice %arg8[%dma_wait3A_450, %dma_wait3A_451] : memref<10000x128xf32, #tpu.memory_space<vmem_shared>> -> memref<10000x128xf32, #tpu.memory_space<vmem_shared>>
        tpu.wait_indirect_dma semaphore(%run_scoped3A_432 : memref<!tpu.dma_semaphore, #tpu.memory_space<semaphore_mem>>) src(%dma_wait3A_446 : memref<120x128xf32, #tpu.memory_space<vmem>>) dst(%dma_wait3A_452 : memref<10000x128xf32, #tpu.memory_space<vmem_shared>>)
        tpu.yield
      }) : () -> ()
      %add3A_282 = arith.constant 3 : i32
      %add3A_283 = arith.addi %add3A_265, %add3A_282 : i32
      %lt3A_284 = arith.constant 84 : i32
      %lt3A_285 = arith.cmpi slt, %add3A_283, %lt3A_284 : i32
      %convert_element_type3A_286 = arith.extui %lt3A_285 : i1 to i32
      %cond3A_287 = arith.constant 0 : i32
      %cond3A_288 = arith.cmpi ne, %convert_element_type3A_286, %cond3A_287 : i32
      scf.if %cond3A_288 {
        %add3A_432 = arith.constant 3 : i32
        %add3A_433 = arith.addi %add3A_265, %add3A_432 : i32
        %add3A_434 = arith.addi %mul3A_2, %add3A_433 : i32
        %dma_wait3A_435 = arith.constant 4 : i32
        %dma_wait3A_436 = arith.constant 0 : i32
        %dma_wait3A_437 = arith.constant 0 : i32
        %dma_wait3A_438 = tpu.memref_slice %arg6[%dma_wait3A_435, %dma_wait3A_436, %dma_wait3A_437] : memref<6x2x120xi32, #tpu.memory_space<vmem>> -> memref<1x2x120xi32, #tpu.memory_space<vmem>>
        %dma_wait3A_439 = tpu.memref_squeeze %dma_wait3A_438 : memref<1x2x120xi32, #tpu.memory_space<vmem>> -> memref<2x120xi32, #tpu.memory_space<vmem>>
        %dma_wait3A_440 = arith.constant 0 : i32
        %dma_wait3A_441 = arith.constant 0 : i32
        %dma_wait3A_442 = tpu.memref_slice %arg3[%add3A_434, %dma_wait3A_440, %dma_wait3A_441] : memref<2688x2x120xi32, #tpu.memory_space<hbm>> -> memref<1x2x120xi32, #tpu.memory_space<hbm>>
        %dma_wait3A_443 = tpu.memref_squeeze %dma_wait3A_442 : memref<1x2x120xi32, #tpu.memory_space<hbm>> -> memref<2x120xi32, #tpu.memory_space<hbm>>
        %dma_wait3A_444 = arith.constant 0 : i32
        %dma_wait3A_445 = arith.constant 0 : i32
        %dma_wait3A_446 = tpu.memref_slice %arg6[%dma_wait3A_435, %dma_wait3A_444, %dma_wait3A_445] : memref<6x2x120xi32, #tpu.memory_space<vmem>> -> memref<1x2x120xi32, #tpu.memory_space<vmem>>
        %dma_wait3A_447 = tpu.memref_squeeze %dma_wait3A_446 : memref<1x2x120xi32, #tpu.memory_space<vmem>> -> memref<2x120xi32, #tpu.memory_space<vmem>>
        %dma_wait3A_448 = arith.constant 0 : i32
        %dma_wait3A_449 = arith.constant 0 : i32
        %dma_wait3A_450 = tpu.memref_slice %arg3[%add3A_434, %dma_wait3A_448, %dma_wait3A_449] : memref<2688x2x120xi32, #tpu.memory_space<hbm>> -> memref<1x2x120xi32, #tpu.memory_space<hbm>>
        %dma_wait3A_451 = tpu.memref_squeeze %dma_wait3A_450 : memref<1x2x120xi32, #tpu.memory_space<hbm>> -> memref<2x120xi32, #tpu.memory_space<hbm>>
        tpu.wait_dma2 semaphore(%arg13 : memref<!tpu.dma_semaphore, #tpu.memory_space<semaphore_mem>>) src(%dma_wait3A_451 : memref<2x120xi32, #tpu.memory_space<hbm>>) dst(%dma_wait3A_447 : memref<2x120xi32, #tpu.memory_space<vmem>>)
        %dma_start3A_452 = arith.constant 4 : i32
        %dma_start3A_453 = arith.constant 0 : i32
        %dma_start3A_454 = arith.constant 1 : i32
        %dma_start3A_455 = arith.constant 0 : i32
        %dma_start3A_456 = arith.constant 0 : i32
        %dma_start3A_457 = tpu.memref_slice %arg7[%dma_start3A_454, %dma_start3A_455, %dma_start3A_456] : memref<3x120x128xf32, #tpu.memory_space<vmem>> -> memref<1x120x128xf32, #tpu.memory_space<vmem>>
        %dma_start3A_458 = tpu.memref_squeeze %dma_start3A_457 : memref<1x120x128xf32, #tpu.memory_space<vmem>> -> memref<120x128xf32, #tpu.memory_space<vmem>>
        %dma_start3A_459 = arith.constant 0 : i32
        %dma_start3A_460 = tpu.memref_slice %arg6[%dma_start3A_452, %dma_start3A_453, %dma_start3A_459] : memref<6x2x120xi32, #tpu.memory_space<vmem>> -> memref<1x1x120xi32, #tpu.memory_space<vmem>>
        %dma_start3A_461 = tpu.memref_squeeze %dma_start3A_460 : memref<1x1x120xi32, #tpu.memory_space<vmem>> -> memref<120xi32, #tpu.memory_space<vmem>>
        %dma_start3A_462 = arith.constant 0 : i32
        %dma_start3A_463 = arith.constant 0 : i32
        %dma_start3A_464 = tpu.memref_slice %arg2[%dma_start3A_462, %dma_start3A_463] : memref<10128x128xf32, #tpu.memory_space<hbm>> -> memref<10128x128xf32, #tpu.memory_space<hbm>>
        tpu.enqueue_indirect_dma source(%dma_start3A_464 : memref<10128x128xf32, #tpu.memory_space<hbm>>) target(%dma_start3A_458 : memref<120x128xf32, #tpu.memory_space<vmem>>) offsets(%dma_start3A_461 : memref<120xi32, #tpu.memory_space<vmem>>) semaphore(%arg16 : memref<!tpu.dma_semaphore, #tpu.memory_space<semaphore_mem>>)
      } else {
      }
      %add3A_289 = arith.constant 6 : i32
      %add3A_290 = arith.addi %add3A_265, %add3A_289 : i32
      %lt3A_291 = arith.constant 84 : i32
      %lt3A_292 = arith.cmpi slt, %add3A_290, %lt3A_291 : i32
      %convert_element_type3A_293 = arith.extui %lt3A_292 : i1 to i32
      %cond3A_294 = arith.constant 0 : i32
      %cond3A_295 = arith.cmpi ne, %convert_element_type3A_293, %cond3A_294 : i32
      scf.if %cond3A_295 {
        %add3A_432 = arith.constant 6 : i32
        %add3A_433 = arith.addi %add3A_265, %add3A_432 : i32
        %add3A_434 = arith.addi %mul3A_2, %add3A_433 : i32
        %dma_start3A_435 = arith.constant 1 : i32
        %dma_start3A_436 = arith.constant 0 : i32
        %dma_start3A_437 = arith.constant 0 : i32
        %dma_start3A_438 = tpu.memref_slice %arg6[%dma_start3A_435, %dma_start3A_436, %dma_start3A_437] : memref<6x2x120xi32, #tpu.memory_space<vmem>> -> memref<1x2x120xi32, #tpu.memory_space<vmem>>
        %dma_start3A_439 = tpu.memref_squeeze %dma_start3A_438 : memref<1x2x120xi32, #tpu.memory_space<vmem>> -> memref<2x120xi32, #tpu.memory_space<vmem>>
        %dma_start3A_440 = arith.constant 0 : i32
        %dma_start3A_441 = arith.constant 0 : i32
        %dma_start3A_442 = tpu.memref_slice %arg3[%add3A_434, %dma_start3A_440, %dma_start3A_441] : memref<2688x2x120xi32, #tpu.memory_space<hbm>> -> memref<1x2x120xi32, #tpu.memory_space<hbm>>
        %dma_start3A_443 = tpu.memref_squeeze %dma_start3A_442 : memref<1x2x120xi32, #tpu.memory_space<hbm>> -> memref<2x120xi32, #tpu.memory_space<hbm>>
        %dma_start3A_444 = arith.constant 0 : i32
        %dma_start3A_445 = arith.constant 0 : i32
        %dma_start3A_446 = tpu.memref_slice %arg6[%dma_start3A_435, %dma_start3A_444, %dma_start3A_445] : memref<6x2x120xi32, #tpu.memory_space<vmem>> -> memref<1x2x120xi32, #tpu.memory_space<vmem>>
        %dma_start3A_447 = tpu.memref_squeeze %dma_start3A_446 : memref<1x2x120xi32, #tpu.memory_space<vmem>> -> memref<2x120xi32, #tpu.memory_space<vmem>>
        %dma_start3A_448 = arith.constant 0 : i32
        %dma_start3A_449 = arith.constant 0 : i32
        %dma_start3A_450 = tpu.memref_slice %arg3[%add3A_434, %dma_start3A_448, %dma_start3A_449] : memref<2688x2x120xi32, #tpu.memory_space<hbm>> -> memref<1x2x120xi32, #tpu.memory_space<hbm>>
        %dma_start3A_451 = tpu.memref_squeeze %dma_start3A_450 : memref<1x2x120xi32, #tpu.memory_space<hbm>> -> memref<2x120xi32, #tpu.memory_space<hbm>>
        tpu.enqueue_dma source(%dma_start3A_451 : memref<2x120xi32, #tpu.memory_space<hbm>>) target(%dma_start3A_447 : memref<2x120xi32, #tpu.memory_space<vmem>>) target_semaphore(%arg10 : memref<!tpu.dma_semaphore, #tpu.memory_space<semaphore_mem>>)
      } else {
      }
      %mul3A_296 = arith.constant 6 : i32
      %mul3A_297 = arith.muli %add3A_229, %mul3A_296 : i32
      %add3A_298 = arith.constant 2 : i32
      %add3A_299 = arith.addi %mul3A_297, %add3A_298 : i32
      %dma_wait3A_300 = arith.constant 2 : i32
      %dma_wait3A_301 = arith.constant 0 : i32
      %dma_wait3A_302 = arith.constant 2 : i32
      %dma_wait3A_303 = arith.constant 0 : i32
      %dma_wait3A_304 = arith.constant 0 : i32
      %dma_wait3A_305 = tpu.memref_slice %arg7[%dma_wait3A_302, %dma_wait3A_303, %dma_wait3A_304] : memref<3x120x128xf32, #tpu.memory_space<vmem>> -> memref<1x120x128xf32, #tpu.memory_space<vmem>>
      %dma_wait3A_306 = tpu.memref_squeeze %dma_wait3A_305 : memref<1x120x128xf32, #tpu.memory_space<vmem>> -> memref<120x128xf32, #tpu.memory_space<vmem>>
      %dma_wait3A_307 = arith.constant 0 : i32
      %dma_wait3A_308 = tpu.memref_slice %arg6[%dma_wait3A_300, %dma_wait3A_301, %dma_wait3A_307] : memref<6x2x120xi32, #tpu.memory_space<vmem>> -> memref<1x1x120xi32, #tpu.memory_space<vmem>>
      %dma_wait3A_309 = tpu.memref_squeeze %dma_wait3A_308 : memref<1x1x120xi32, #tpu.memory_space<vmem>> -> memref<120xi32, #tpu.memory_space<vmem>>
      %dma_wait3A_310 = arith.constant 0 : i32
      %dma_wait3A_311 = arith.constant 0 : i32
      %dma_wait3A_312 = tpu.memref_slice %arg2[%dma_wait3A_310, %dma_wait3A_311] : memref<10128x128xf32, #tpu.memory_space<hbm>> -> memref<10128x128xf32, #tpu.memory_space<hbm>>
      tpu.wait_indirect_dma semaphore(%arg17 : memref<!tpu.dma_semaphore, #tpu.memory_space<semaphore_mem>>) src(%dma_wait3A_312 : memref<10128x128xf32, #tpu.memory_space<hbm>>) dst(%dma_wait3A_306 : memref<120x128xf32, #tpu.memory_space<vmem>>)
      %run_scoped3A_313 = arith.constant 2 : i32
      %run_scoped3A_314 = arith.constant 2 : i32
      %run_scoped3A_315 = arith.constant 1 : i32
      "tpu.region"() ({
        %run_scoped3A_432 = tpu.sem_alloc : memref<!tpu.dma_semaphore, #tpu.memory_space<semaphore_mem>>
        %dma_start3A_433 = arith.constant 0 : i32
        %dma_start3A_434 = arith.constant 0 : i32
        %dma_start3A_435 = tpu.memref_slice %arg7[%run_scoped3A_313, %dma_start3A_433, %dma_start3A_434] : memref<3x120x128xf32, #tpu.memory_space<vmem>> -> memref<1x120x128xf32, #tpu.memory_space<vmem>>
        %dma_start3A_436 = tpu.memref_squeeze %dma_start3A_435 : memref<1x120x128xf32, #tpu.memory_space<vmem>> -> memref<120x128xf32, #tpu.memory_space<vmem>>
        %dma_start3A_437 = arith.constant 0 : i32
        %dma_start3A_438 = tpu.memref_slice %arg6[%run_scoped3A_314, %run_scoped3A_315, %dma_start3A_437] : memref<6x2x120xi32, #tpu.memory_space<vmem>> -> memref<1x1x120xi32, #tpu.memory_space<vmem>>
        %dma_start3A_439 = tpu.memref_squeeze %dma_start3A_438 : memref<1x1x120xi32, #tpu.memory_space<vmem>> -> memref<120xi32, #tpu.memory_space<vmem>>
        %dma_start3A_440 = arith.constant 0 : i32
        %dma_start3A_441 = arith.constant 0 : i32
        %dma_start3A_442 = tpu.memref_slice %arg8[%dma_start3A_440, %dma_start3A_441] : memref<10000x128xf32, #tpu.memory_space<vmem_shared>> -> memref<10000x128xf32, #tpu.memory_space<vmem_shared>>
        tpu.enqueue_indirect_dma source(%dma_start3A_436 : memref<120x128xf32, #tpu.memory_space<vmem>>) target(%dma_start3A_442 : memref<10000x128xf32, #tpu.memory_space<vmem_shared>>) offsets(%dma_start3A_439 : memref<120xi32, #tpu.memory_space<vmem>>) semaphore(%run_scoped3A_432 : memref<!tpu.dma_semaphore, #tpu.memory_space<semaphore_mem>>) {add = true}
        %dma_wait3A_443 = arith.constant 0 : i32
        %dma_wait3A_444 = arith.constant 0 : i32
        %dma_wait3A_445 = tpu.memref_slice %arg7[%run_scoped3A_313, %dma_wait3A_443, %dma_wait3A_444] : memref<3x120x128xf32, #tpu.memory_space<vmem>> -> memref<1x120x128xf32, #tpu.memory_space<vmem>>
        %dma_wait3A_446 = tpu.memref_squeeze %dma_wait3A_445 : memref<1x120x128xf32, #tpu.memory_space<vmem>> -> memref<120x128xf32, #tpu.memory_space<vmem>>
        %dma_wait3A_447 = arith.constant 0 : i32
        %dma_wait3A_448 = tpu.memref_slice %arg6[%run_scoped3A_314, %run_scoped3A_315, %dma_wait3A_447] : memref<6x2x120xi32, #tpu.memory_space<vmem>> -> memref<1x1x120xi32, #tpu.memory_space<vmem>>
        %dma_wait3A_449 = tpu.memref_squeeze %dma_wait3A_448 : memref<1x1x120xi32, #tpu.memory_space<vmem>> -> memref<120xi32, #tpu.memory_space<vmem>>
        %dma_wait3A_450 = arith.constant 0 : i32
        %dma_wait3A_451 = arith.constant 0 : i32
        %dma_wait3A_452 = tpu.memref_slice %arg8[%dma_wait3A_450, %dma_wait3A_451] : memref<10000x128xf32, #tpu.memory_space<vmem_shared>> -> memref<10000x128xf32, #tpu.memory_space<vmem_shared>>
        tpu.wait_indirect_dma semaphore(%run_scoped3A_432 : memref<!tpu.dma_semaphore, #tpu.memory_space<semaphore_mem>>) src(%dma_wait3A_446 : memref<120x128xf32, #tpu.memory_space<vmem>>) dst(%dma_wait3A_452 : memref<10000x128xf32, #tpu.memory_space<vmem_shared>>)
        tpu.yield
      }) : () -> ()
      %add3A_316 = arith.constant 3 : i32
      %add3A_317 = arith.addi %add3A_299, %add3A_316 : i32
      %lt3A_318 = arith.constant 84 : i32
      %lt3A_319 = arith.cmpi slt, %add3A_317, %lt3A_318 : i32
      %convert_element_type3A_320 = arith.extui %lt3A_319 : i1 to i32
      %cond3A_321 = arith.constant 0 : i32
      %cond3A_322 = arith.cmpi ne, %convert_element_type3A_320, %cond3A_321 : i32
      scf.if %cond3A_322 {
        %add3A_432 = arith.constant 3 : i32
        %add3A_433 = arith.addi %add3A_299, %add3A_432 : i32
        %add3A_434 = arith.addi %mul3A_2, %add3A_433 : i32
        %dma_wait3A_435 = arith.constant 5 : i32
        %dma_wait3A_436 = arith.constant 0 : i32
        %dma_wait3A_437 = arith.constant 0 : i32
        %dma_wait3A_438 = tpu.memref_slice %arg6[%dma_wait3A_435, %dma_wait3A_436, %dma_wait3A_437] : memref<6x2x120xi32, #tpu.memory_space<vmem>> -> memref<1x2x120xi32, #tpu.memory_space<vmem>>
        %dma_wait3A_439 = tpu.memref_squeeze %dma_wait3A_438 : memref<1x2x120xi32, #tpu.memory_space<vmem>> -> memref<2x120xi32, #tpu.memory_space<vmem>>
        %dma_wait3A_440 = arith.constant 0 : i32
        %dma_wait3A_441 = arith.constant 0 : i32
        %dma_wait3A_442 = tpu.memref_slice %arg3[%add3A_434, %dma_wait3A_440, %dma_wait3A_441] : memref<2688x2x120xi32, #tpu.memory_space<hbm>> -> memref<1x2x120xi32, #tpu.memory_space<hbm>>
        %dma_wait3A_443 = tpu.memref_squeeze %dma_wait3A_442 : memref<1x2x120xi32, #tpu.memory_space<hbm>> -> memref<2x120xi32, #tpu.memory_space<hbm>>
        %dma_wait3A_444 = arith.constant 0 : i32
        %dma_wait3A_445 = arith.constant 0 : i32
        %dma_wait3A_446 = tpu.memref_slice %arg6[%dma_wait3A_435, %dma_wait3A_444, %dma_wait3A_445] : memref<6x2x120xi32, #tpu.memory_space<vmem>> -> memref<1x2x120xi32, #tpu.memory_space<vmem>>
        %dma_wait3A_447 = tpu.memref_squeeze %dma_wait3A_446 : memref<1x2x120xi32, #tpu.memory_space<vmem>> -> memref<2x120xi32, #tpu.memory_space<vmem>>
        %dma_wait3A_448 = arith.constant 0 : i32
        %dma_wait3A_449 = arith.constant 0 : i32
        %dma_wait3A_450 = tpu.memref_slice %arg3[%add3A_434, %dma_wait3A_448, %dma_wait3A_449] : memref<2688x2x120xi32, #tpu.memory_space<hbm>> -> memref<1x2x120xi32, #tpu.memory_space<hbm>>
        %dma_wait3A_451 = tpu.memref_squeeze %dma_wait3A_450 : memref<1x2x120xi32, #tpu.memory_space<hbm>> -> memref<2x120xi32, #tpu.memory_space<hbm>>
        tpu.wait_dma2 semaphore(%arg14 : memref<!tpu.dma_semaphore, #tpu.memory_space<semaphore_mem>>) src(%dma_wait3A_451 : memref<2x120xi32, #tpu.memory_space<hbm>>) dst(%dma_wait3A_447 : memref<2x120xi32, #tpu.memory_space<vmem>>)
        %dma_start3A_452 = arith.constant 5 : i32
        %dma_start3A_453 = arith.constant 0 : i32
        %dma_start3A_454 = arith.constant 2 : i32
        %dma_start3A_455 = arith.constant 0 : i32
        %dma_start3A_456 = arith.constant 0 : i32
        %dma_start3A_457 = tpu.memref_slice %arg7[%dma_start3A_454, %dma_start3A_455, %dma_start3A_456] : memref<3x120x128xf32, #tpu.memory_space<vmem>> -> memref<1x120x128xf32, #tpu.memory_space<vmem>>
        %dma_start3A_458 = tpu.memref_squeeze %dma_start3A_457 : memref<1x120x128xf32, #tpu.memory_space<vmem>> -> memref<120x128xf32, #tpu.memory_space<vmem>>
        %dma_start3A_459 = arith.constant 0 : i32
        %dma_start3A_460 = tpu.memref_slice %arg6[%dma_start3A_452, %dma_start3A_453, %dma_start3A_459] : memref<6x2x120xi32, #tpu.memory_space<vmem>> -> memref<1x1x120xi32, #tpu.memory_space<vmem>>
        %dma_start3A_461 = tpu.memref_squeeze %dma_start3A_460 : memref<1x1x120xi32, #tpu.memory_space<vmem>> -> memref<120xi32, #tpu.memory_space<vmem>>
        %dma_start3A_462 = arith.constant 0 : i32
        %dma_start3A_463 = arith.constant 0 : i32
        %dma_start3A_464 = tpu.memref_slice %arg2[%dma_start3A_462, %dma_start3A_463] : memref<10128x128xf32, #tpu.memory_space<hbm>> -> memref<10128x128xf32, #tpu.memory_space<hbm>>
        tpu.enqueue_indirect_dma source(%dma_start3A_464 : memref<10128x128xf32, #tpu.memory_space<hbm>>) target(%dma_start3A_458 : memref<120x128xf32, #tpu.memory_space<vmem>>) offsets(%dma_start3A_461 : memref<120xi32, #tpu.memory_space<vmem>>) semaphore(%arg17 : memref<!tpu.dma_semaphore, #tpu.memory_space<semaphore_mem>>)
      } else {
      }
      %add3A_323 = arith.constant 6 : i32
      %add3A_324 = arith.addi %add3A_299, %add3A_323 : i32
      %lt3A_325 = arith.constant 84 : i32
      %lt3A_326 = arith.cmpi slt, %add3A_324, %lt3A_325 : i32
      %convert_element_type3A_327 = arith.extui %lt3A_326 : i1 to i32
      %cond3A_328 = arith.constant 0 : i32
      %cond3A_329 = arith.cmpi ne, %convert_element_type3A_327, %cond3A_328 : i32
      scf.if %cond3A_329 {
        %add3A_432 = arith.constant 6 : i32
        %add3A_433 = arith.addi %add3A_299, %add3A_432 : i32
        %add3A_434 = arith.addi %mul3A_2, %add3A_433 : i32
        %dma_start3A_435 = arith.constant 2 : i32
        %dma_start3A_436 = arith.constant 0 : i32
        %dma_start3A_437 = arith.constant 0 : i32
        %dma_start3A_438 = tpu.memref_slice %arg6[%dma_start3A_435, %dma_start3A_436, %dma_start3A_437] : memref<6x2x120xi32, #tpu.memory_space<vmem>> -> memref<1x2x120xi32, #tpu.memory_space<vmem>>
        %dma_start3A_439 = tpu.memref_squeeze %dma_start3A_438 : memref<1x2x120xi32, #tpu.memory_space<vmem>> -> memref<2x120xi32, #tpu.memory_space<vmem>>
        %dma_start3A_440 = arith.constant 0 : i32
        %dma_start3A_441 = arith.constant 0 : i32
        %dma_start3A_442 = tpu.memref_slice %arg3[%add3A_434, %dma_start3A_440, %dma_start3A_441] : memref<2688x2x120xi32, #tpu.memory_space<hbm>> -> memref<1x2x120xi32, #tpu.memory_space<hbm>>
        %dma_start3A_443 = tpu.memref_squeeze %dma_start3A_442 : memref<1x2x120xi32, #tpu.memory_space<hbm>> -> memref<2x120xi32, #tpu.memory_space<hbm>>
        %dma_start3A_444 = arith.constant 0 : i32
        %dma_start3A_445 = arith.constant 0 : i32
        %dma_start3A_446 = tpu.memref_slice %arg6[%dma_start3A_435, %dma_start3A_444, %dma_start3A_445] : memref<6x2x120xi32, #tpu.memory_space<vmem>> -> memref<1x2x120xi32, #tpu.memory_space<vmem>>
        %dma_start3A_447 = tpu.memref_squeeze %dma_start3A_446 : memref<1x2x120xi32, #tpu.memory_space<vmem>> -> memref<2x120xi32, #tpu.memory_space<vmem>>
        %dma_start3A_448 = arith.constant 0 : i32
        %dma_start3A_449 = arith.constant 0 : i32
        %dma_start3A_450 = tpu.memref_slice %arg3[%add3A_434, %dma_start3A_448, %dma_start3A_449] : memref<2688x2x120xi32, #tpu.memory_space<hbm>> -> memref<1x2x120xi32, #tpu.memory_space<hbm>>
        %dma_start3A_451 = tpu.memref_squeeze %dma_start3A_450 : memref<1x2x120xi32, #tpu.memory_space<hbm>> -> memref<2x120xi32, #tpu.memory_space<hbm>>
        tpu.enqueue_dma source(%dma_start3A_451 : memref<2x120xi32, #tpu.memory_space<hbm>>) target(%dma_start3A_447 : memref<2x120xi32, #tpu.memory_space<vmem>>) target_semaphore(%arg11 : memref<!tpu.dma_semaphore, #tpu.memory_space<semaphore_mem>>)
      } else {
      }
      %mul3A_330 = arith.constant 6 : i32
      %mul3A_331 = arith.muli %add3A_229, %mul3A_330 : i32
      %add3A_332 = arith.constant 3 : i32
      %add3A_333 = arith.addi %mul3A_331, %add3A_332 : i32
      %dma_wait3A_334 = arith.constant 3 : i32
      %dma_wait3A_335 = arith.constant 0 : i32
      %dma_wait3A_336 = arith.constant 0 : i32
      %dma_wait3A_337 = arith.constant 0 : i32
      %dma_wait3A_338 = arith.constant 0 : i32
      %dma_wait3A_339 = tpu.memref_slice %arg7[%dma_wait3A_336, %dma_wait3A_337, %dma_wait3A_338] : memref<3x120x128xf32, #tpu.memory_space<vmem>> -> memref<1x120x128xf32, #tpu.memory_space<vmem>>
      %dma_wait3A_340 = tpu.memref_squeeze %dma_wait3A_339 : memref<1x120x128xf32, #tpu.memory_space<vmem>> -> memref<120x128xf32, #tpu.memory_space<vmem>>
      %dma_wait3A_341 = arith.constant 0 : i32
      %dma_wait3A_342 = tpu.memref_slice %arg6[%dma_wait3A_334, %dma_wait3A_335, %dma_wait3A_341] : memref<6x2x120xi32, #tpu.memory_space<vmem>> -> memref<1x1x120xi32, #tpu.memory_space<vmem>>
      %dma_wait3A_343 = tpu.memref_squeeze %dma_wait3A_342 : memref<1x1x120xi32, #tpu.memory_space<vmem>> -> memref<120xi32, #tpu.memory_space<vmem>>
      %dma_wait3A_344 = arith.constant 0 : i32
      %dma_wait3A_345 = arith.constant 0 : i32
      %dma_wait3A_346 = tpu.memref_slice %arg2[%dma_wait3A_344, %dma_wait3A_345] : memref<10128x128xf32, #tpu.memory_space<hbm>> -> memref<10128x128xf32, #tpu.memory_space<hbm>>
      tpu.wait_indirect_dma semaphore(%arg15 : memref<!tpu.dma_semaphore, #tpu.memory_space<semaphore_mem>>) src(%dma_wait3A_346 : memref<10128x128xf32, #tpu.memory_space<hbm>>) dst(%dma_wait3A_340 : memref<120x128xf32, #tpu.memory_space<vmem>>)
      %run_scoped3A_347 = arith.constant 0 : i32
      %run_scoped3A_348 = arith.constant 3 : i32
      %run_scoped3A_349 = arith.constant 1 : i32
      "tpu.region"() ({
        %run_scoped3A_432 = tpu.sem_alloc : memref<!tpu.dma_semaphore, #tpu.memory_space<semaphore_mem>>
        %dma_start3A_433 = arith.constant 0 : i32
        %dma_start3A_434 = arith.constant 0 : i32
        %dma_start3A_435 = tpu.memref_slice %arg7[%run_scoped3A_347, %dma_start3A_433, %dma_start3A_434] : memref<3x120x128xf32, #tpu.memory_space<vmem>> -> memref<1x120x128xf32, #tpu.memory_space<vmem>>
        %dma_start3A_436 = tpu.memref_squeeze %dma_start3A_435 : memref<1x120x128xf32, #tpu.memory_space<vmem>> -> memref<120x128xf32, #tpu.memory_space<vmem>>
        %dma_start3A_437 = arith.constant 0 : i32
        %dma_start3A_438 = tpu.memref_slice %arg6[%run_scoped3A_348, %run_scoped3A_349, %dma_start3A_437] : memref<6x2x120xi32, #tpu.memory_space<vmem>> -> memref<1x1x120xi32, #tpu.memory_space<vmem>>
        %dma_start3A_439 = tpu.memref_squeeze %dma_start3A_438 : memref<1x1x120xi32, #tpu.memory_space<vmem>> -> memref<120xi32, #tpu.memory_space<vmem>>
        %dma_start3A_440 = arith.constant 0 : i32
        %dma_start3A_441 = arith.constant 0 : i32
        %dma_start3A_442 = tpu.memref_slice %arg8[%dma_start3A_440, %dma_start3A_441] : memref<10000x128xf32, #tpu.memory_space<vmem_shared>> -> memref<10000x128xf32, #tpu.memory_space<vmem_shared>>
        tpu.enqueue_indirect_dma source(%dma_start3A_436 : memref<120x128xf32, #tpu.memory_space<vmem>>) target(%dma_start3A_442 : memref<10000x128xf32, #tpu.memory_space<vmem_shared>>) offsets(%dma_start3A_439 : memref<120xi32, #tpu.memory_space<vmem>>) semaphore(%run_scoped3A_432 : memref<!tpu.dma_semaphore, #tpu.memory_space<semaphore_mem>>) {add = true}
        %dma_wait3A_443 = arith.constant 0 : i32
        %dma_wait3A_444 = arith.constant 0 : i32
        %dma_wait3A_445 = tpu.memref_slice %arg7[%run_scoped3A_347, %dma_wait3A_443, %dma_wait3A_444] : memref<3x120x128xf32, #tpu.memory_space<vmem>> -> memref<1x120x128xf32, #tpu.memory_space<vmem>>
        %dma_wait3A_446 = tpu.memref_squeeze %dma_wait3A_445 : memref<1x120x128xf32, #tpu.memory_space<vmem>> -> memref<120x128xf32, #tpu.memory_space<vmem>>
        %dma_wait3A_447 = arith.constant 0 : i32
        %dma_wait3A_448 = tpu.memref_slice %arg6[%run_scoped3A_348, %run_scoped3A_349, %dma_wait3A_447] : memref<6x2x120xi32, #tpu.memory_space<vmem>> -> memref<1x1x120xi32, #tpu.memory_space<vmem>>
        %dma_wait3A_449 = tpu.memref_squeeze %dma_wait3A_448 : memref<1x1x120xi32, #tpu.memory_space<vmem>> -> memref<120xi32, #tpu.memory_space<vmem>>
        %dma_wait3A_450 = arith.constant 0 : i32
        %dma_wait3A_451 = arith.constant 0 : i32
        %dma_wait3A_452 = tpu.memref_slice %arg8[%dma_wait3A_450, %dma_wait3A_451] : memref<10000x128xf32, #tpu.memory_space<vmem_shared>> -> memref<10000x128xf32, #tpu.memory_space<vmem_shared>>
        tpu.wait_indirect_dma semaphore(%run_scoped3A_432 : memref<!tpu.dma_semaphore, #tpu.memory_space<semaphore_mem>>) src(%dma_wait3A_446 : memref<120x128xf32, #tpu.memory_space<vmem>>) dst(%dma_wait3A_452 : memref<10000x128xf32, #tpu.memory_space<vmem_shared>>)
        tpu.yield
      }) : () -> ()
      %add3A_350 = arith.constant 3 : i32
      %add3A_351 = arith.addi %add3A_333, %add3A_350 : i32
      %lt3A_352 = arith.constant 84 : i32
      %lt3A_353 = arith.cmpi slt, %add3A_351, %lt3A_352 : i32
      %convert_element_type3A_354 = arith.extui %lt3A_353 : i1 to i32
      %cond3A_355 = arith.constant 0 : i32
      %cond3A_356 = arith.cmpi ne, %convert_element_type3A_354, %cond3A_355 : i32
      scf.if %cond3A_356 {
        %add3A_432 = arith.constant 3 : i32
        %add3A_433 = arith.addi %add3A_333, %add3A_432 : i32
        %add3A_434 = arith.addi %mul3A_2, %add3A_433 : i32
        %dma_wait3A_435 = arith.constant 0 : i32
        %dma_wait3A_436 = arith.constant 0 : i32
        %dma_wait3A_437 = arith.constant 0 : i32
        %dma_wait3A_438 = tpu.memref_slice %arg6[%dma_wait3A_435, %dma_wait3A_436, %dma_wait3A_437] : memref<6x2x120xi32, #tpu.memory_space<vmem>> -> memref<1x2x120xi32, #tpu.memory_space<vmem>>
        %dma_wait3A_439 = tpu.memref_squeeze %dma_wait3A_438 : memref<1x2x120xi32, #tpu.memory_space<vmem>> -> memref<2x120xi32, #tpu.memory_space<vmem>>
        %dma_wait3A_440 = arith.constant 0 : i32
        %dma_wait3A_441 = arith.constant 0 : i32
        %dma_wait3A_442 = tpu.memref_slice %arg3[%add3A_434, %dma_wait3A_440, %dma_wait3A_441] : memref<2688x2x120xi32, #tpu.memory_space<hbm>> -> memref<1x2x120xi32, #tpu.memory_space<hbm>>
        %dma_wait3A_443 = tpu.memref_squeeze %dma_wait3A_442 : memref<1x2x120xi32, #tpu.memory_space<hbm>> -> memref<2x120xi32, #tpu.memory_space<hbm>>
        %dma_wait3A_444 = arith.constant 0 : i32
        %dma_wait3A_445 = arith.constant 0 : i32
        %dma_wait3A_446 = tpu.memref_slice %arg6[%dma_wait3A_435, %dma_wait3A_444, %dma_wait3A_445] : memref<6x2x120xi32, #tpu.memory_space<vmem>> -> memref<1x2x120xi32, #tpu.memory_space<vmem>>
        %dma_wait3A_447 = tpu.memref_squeeze %dma_wait3A_446 : memref<1x2x120xi32, #tpu.memory_space<vmem>> -> memref<2x120xi32, #tpu.memory_space<vmem>>
        %dma_wait3A_448 = arith.constant 0 : i32
        %dma_wait3A_449 = arith.constant 0 : i32
        %dma_wait3A_450 = tpu.memref_slice %arg3[%add3A_434, %dma_wait3A_448, %dma_wait3A_449] : memref<2688x2x120xi32, #tpu.memory_space<hbm>> -> memref<1x2x120xi32, #tpu.memory_space<hbm>>
        %dma_wait3A_451 = tpu.memref_squeeze %dma_wait3A_450 : memref<1x2x120xi32, #tpu.memory_space<hbm>> -> memref<2x120xi32, #tpu.memory_space<hbm>>
        tpu.wait_dma2 semaphore(%arg9 : memref<!tpu.dma_semaphore, #tpu.memory_space<semaphore_mem>>) src(%dma_wait3A_451 : memref<2x120xi32, #tpu.memory_space<hbm>>) dst(%dma_wait3A_447 : memref<2x120xi32, #tpu.memory_space<vmem>>)
        %dma_start3A_452 = arith.constant 0 : i32
        %dma_start3A_453 = arith.constant 0 : i32
        %dma_start3A_454 = arith.constant 0 : i32
        %dma_start3A_455 = arith.constant 0 : i32
        %dma_start3A_456 = arith.constant 0 : i32
        %dma_start3A_457 = tpu.memref_slice %arg7[%dma_start3A_454, %dma_start3A_455, %dma_start3A_456] : memref<3x120x128xf32, #tpu.memory_space<vmem>> -> memref<1x120x128xf32, #tpu.memory_space<vmem>>
        %dma_start3A_458 = tpu.memref_squeeze %dma_start3A_457 : memref<1x120x128xf32, #tpu.memory_space<vmem>> -> memref<120x128xf32, #tpu.memory_space<vmem>>
        %dma_start3A_459 = arith.constant 0 : i32
        %dma_start3A_460 = tpu.memref_slice %arg6[%dma_start3A_452, %dma_start3A_453, %dma_start3A_459] : memref<6x2x120xi32, #tpu.memory_space<vmem>> -> memref<1x1x120xi32, #tpu.memory_space<vmem>>
        %dma_start3A_461 = tpu.memref_squeeze %dma_start3A_460 : memref<1x1x120xi32, #tpu.memory_space<vmem>> -> memref<120xi32, #tpu.memory_space<vmem>>
        %dma_start3A_462 = arith.constant 0 : i32
        %dma_start3A_463 = arith.constant 0 : i32
        %dma_start3A_464 = tpu.memref_slice %arg2[%dma_start3A_462, %dma_start3A_463] : memref<10128x128xf32, #tpu.memory_space<hbm>> -> memref<10128x128xf32, #tpu.memory_space<hbm>>
        tpu.enqueue_indirect_dma source(%dma_start3A_464 : memref<10128x128xf32, #tpu.memory_space<hbm>>) target(%dma_start3A_458 : memref<120x128xf32, #tpu.memory_space<vmem>>) offsets(%dma_start3A_461 : memref<120xi32, #tpu.memory_space<vmem>>) semaphore(%arg15 : memref<!tpu.dma_semaphore, #tpu.memory_space<semaphore_mem>>)
      } else {
      }
      %add3A_357 = arith.constant 6 : i32
      %add3A_358 = arith.addi %add3A_333, %add3A_357 : i32
      %lt3A_359 = arith.constant 84 : i32
      %lt3A_360 = arith.cmpi slt, %add3A_358, %lt3A_359 : i32
      %convert_element_type3A_361 = arith.extui %lt3A_360 : i1 to i32
      %cond3A_362 = arith.constant 0 : i32
      %cond3A_363 = arith.cmpi ne, %convert_element_type3A_361, %cond3A_362 : i32
      scf.if %cond3A_363 {
        %add3A_432 = arith.constant 6 : i32
        %add3A_433 = arith.addi %add3A_333, %add3A_432 : i32
        %add3A_434 = arith.addi %mul3A_2, %add3A_433 : i32
        %dma_start3A_435 = arith.constant 3 : i32
        %dma_start3A_436 = arith.constant 0 : i32
        %dma_start3A_437 = arith.constant 0 : i32
        %dma_start3A_438 = tpu.memref_slice %arg6[%dma_start3A_435, %dma_start3A_436, %dma_start3A_437] : memref<6x2x120xi32, #tpu.memory_space<vmem>> -> memref<1x2x120xi32, #tpu.memory_space<vmem>>
        %dma_start3A_439 = tpu.memref_squeeze %dma_start3A_438 : memref<1x2x120xi32, #tpu.memory_space<vmem>> -> memref<2x120xi32, #tpu.memory_space<vmem>>
        %dma_start3A_440 = arith.constant 0 : i32
        %dma_start3A_441 = arith.constant 0 : i32
        %dma_start3A_442 = tpu.memref_slice %arg3[%add3A_434, %dma_start3A_440, %dma_start3A_441] : memref<2688x2x120xi32, #tpu.memory_space<hbm>> -> memref<1x2x120xi32, #tpu.memory_space<hbm>>
        %dma_start3A_443 = tpu.memref_squeeze %dma_start3A_442 : memref<1x2x120xi32, #tpu.memory_space<hbm>> -> memref<2x120xi32, #tpu.memory_space<hbm>>
        %dma_start3A_444 = arith.constant 0 : i32
        %dma_start3A_445 = arith.constant 0 : i32
        %dma_start3A_446 = tpu.memref_slice %arg6[%dma_start3A_435, %dma_start3A_444, %dma_start3A_445] : memref<6x2x120xi32, #tpu.memory_space<vmem>> -> memref<1x2x120xi32, #tpu.memory_space<vmem>>
        %dma_start3A_447 = tpu.memref_squeeze %dma_start3A_446 : memref<1x2x120xi32, #tpu.memory_space<vmem>> -> memref<2x120xi32, #tpu.memory_space<vmem>>
        %dma_start3A_448 = arith.constant 0 : i32
        %dma_start3A_449 = arith.constant 0 : i32
        %dma_start3A_450 = tpu.memref_slice %arg3[%add3A_434, %dma_start3A_448, %dma_start3A_449] : memref<2688x2x120xi32, #tpu.memory_space<hbm>> -> memref<1x2x120xi32, #tpu.memory_space<hbm>>
        %dma_start3A_451 = tpu.memref_squeeze %dma_start3A_450 : memref<1x2x120xi32, #tpu.memory_space<hbm>> -> memref<2x120xi32, #tpu.memory_space<hbm>>
        tpu.enqueue_dma source(%dma_start3A_451 : memref<2x120xi32, #tpu.memory_space<hbm>>) target(%dma_start3A_447 : memref<2x120xi32, #tpu.memory_space<vmem>>) target_semaphore(%arg12 : memref<!tpu.dma_semaphore, #tpu.memory_space<semaphore_mem>>)
      } else {
      }
      %mul3A_364 = arith.constant 6 : i32
      %mul3A_365 = arith.muli %add3A_229, %mul3A_364 : i32
      %add3A_366 = arith.constant 4 : i32
      %add3A_367 = arith.addi %mul3A_365, %add3A_366 : i32
      %dma_wait3A_368 = arith.constant 4 : i32
      %dma_wait3A_369 = arith.constant 0 : i32
      %dma_wait3A_370 = arith.constant 1 : i32
      %dma_wait3A_371 = arith.constant 0 : i32
      %dma_wait3A_372 = arith.constant 0 : i32
      %dma_wait3A_373 = tpu.memref_slice %arg7[%dma_wait3A_370, %dma_wait3A_371, %dma_wait3A_372] : memref<3x120x128xf32, #tpu.memory_space<vmem>> -> memref<1x120x128xf32, #tpu.memory_space<vmem>>
      %dma_wait3A_374 = tpu.memref_squeeze %dma_wait3A_373 : memref<1x120x128xf32, #tpu.memory_space<vmem>> -> memref<120x128xf32, #tpu.memory_space<vmem>>
      %dma_wait3A_375 = arith.constant 0 : i32
      %dma_wait3A_376 = tpu.memref_slice %arg6[%dma_wait3A_368, %dma_wait3A_369, %dma_wait3A_375] : memref<6x2x120xi32, #tpu.memory_space<vmem>> -> memref<1x1x120xi32, #tpu.memory_space<vmem>>
      %dma_wait3A_377 = tpu.memref_squeeze %dma_wait3A_376 : memref<1x1x120xi32, #tpu.memory_space<vmem>> -> memref<120xi32, #tpu.memory_space<vmem>>
      %dma_wait3A_378 = arith.constant 0 : i32
      %dma_wait3A_379 = arith.constant 0 : i32
      %dma_wait3A_380 = tpu.memref_slice %arg2[%dma_wait3A_378, %dma_wait3A_379] : memref<10128x128xf32, #tpu.memory_space<hbm>> -> memref<10128x128xf32, #tpu.memory_space<hbm>>
      tpu.wait_indirect_dma semaphore(%arg16 : memref<!tpu.dma_semaphore, #tpu.memory_space<semaphore_mem>>) src(%dma_wait3A_380 : memref<10128x128xf32, #tpu.memory_space<hbm>>) dst(%dma_wait3A_374 : memref<120x128xf32, #tpu.memory_space<vmem>>)
      %run_scoped3A_381 = arith.constant 1 : i32
      %run_scoped3A_382 = arith.constant 4 : i32
      %run_scoped3A_383 = arith.constant 1 : i32
      "tpu.region"() ({
        %run_scoped3A_432 = tpu.sem_alloc : memref<!tpu.dma_semaphore, #tpu.memory_space<semaphore_mem>>
        %dma_start3A_433 = arith.constant 0 : i32
        %dma_start3A_434 = arith.constant 0 : i32
        %dma_start3A_435 = tpu.memref_slice %arg7[%run_scoped3A_381, %dma_start3A_433, %dma_start3A_434] : memref<3x120x128xf32, #tpu.memory_space<vmem>> -> memref<1x120x128xf32, #tpu.memory_space<vmem>>
        %dma_start3A_436 = tpu.memref_squeeze %dma_start3A_435 : memref<1x120x128xf32, #tpu.memory_space<vmem>> -> memref<120x128xf32, #tpu.memory_space<vmem>>
        %dma_start3A_437 = arith.constant 0 : i32
        %dma_start3A_438 = tpu.memref_slice %arg6[%run_scoped3A_382, %run_scoped3A_383, %dma_start3A_437] : memref<6x2x120xi32, #tpu.memory_space<vmem>> -> memref<1x1x120xi32, #tpu.memory_space<vmem>>
        %dma_start3A_439 = tpu.memref_squeeze %dma_start3A_438 : memref<1x1x120xi32, #tpu.memory_space<vmem>> -> memref<120xi32, #tpu.memory_space<vmem>>
        %dma_start3A_440 = arith.constant 0 : i32
        %dma_start3A_441 = arith.constant 0 : i32
        %dma_start3A_442 = tpu.memref_slice %arg8[%dma_start3A_440, %dma_start3A_441] : memref<10000x128xf32, #tpu.memory_space<vmem_shared>> -> memref<10000x128xf32, #tpu.memory_space<vmem_shared>>
        tpu.enqueue_indirect_dma source(%dma_start3A_436 : memref<120x128xf32, #tpu.memory_space<vmem>>) target(%dma_start3A_442 : memref<10000x128xf32, #tpu.memory_space<vmem_shared>>) offsets(%dma_start3A_439 : memref<120xi32, #tpu.memory_space<vmem>>) semaphore(%run_scoped3A_432 : memref<!tpu.dma_semaphore, #tpu.memory_space<semaphore_mem>>) {add = true}
        %dma_wait3A_443 = arith.constant 0 : i32
        %dma_wait3A_444 = arith.constant 0 : i32
        %dma_wait3A_445 = tpu.memref_slice %arg7[%run_scoped3A_381, %dma_wait3A_443, %dma_wait3A_444] : memref<3x120x128xf32, #tpu.memory_space<vmem>> -> memref<1x120x128xf32, #tpu.memory_space<vmem>>
        %dma_wait3A_446 = tpu.memref_squeeze %dma_wait3A_445 : memref<1x120x128xf32, #tpu.memory_space<vmem>> -> memref<120x128xf32, #tpu.memory_space<vmem>>
        %dma_wait3A_447 = arith.constant 0 : i32
        %dma_wait3A_448 = tpu.memref_slice %arg6[%run_scoped3A_382, %run_scoped3A_383, %dma_wait3A_447] : memref<6x2x120xi32, #tpu.memory_space<vmem>> -> memref<1x1x120xi32, #tpu.memory_space<vmem>>
        %dma_wait3A_449 = tpu.memref_squeeze %dma_wait3A_448 : memref<1x1x120xi32, #tpu.memory_space<vmem>> -> memref<120xi32, #tpu.memory_space<vmem>>
        %dma_wait3A_450 = arith.constant 0 : i32
        %dma_wait3A_451 = arith.constant 0 : i32
        %dma_wait3A_452 = tpu.memref_slice %arg8[%dma_wait3A_450, %dma_wait3A_451] : memref<10000x128xf32, #tpu.memory_space<vmem_shared>> -> memref<10000x128xf32, #tpu.memory_space<vmem_shared>>
        tpu.wait_indirect_dma semaphore(%run_scoped3A_432 : memref<!tpu.dma_semaphore, #tpu.memory_space<semaphore_mem>>) src(%dma_wait3A_446 : memref<120x128xf32, #tpu.memory_space<vmem>>) dst(%dma_wait3A_452 : memref<10000x128xf32, #tpu.memory_space<vmem_shared>>)
        tpu.yield
      }) : () -> ()
      %add3A_384 = arith.constant 3 : i32
      %add3A_385 = arith.addi %add3A_367, %add3A_384 : i32
      %lt3A_386 = arith.constant 84 : i32
      %lt3A_387 = arith.cmpi slt, %add3A_385, %lt3A_386 : i32
      %convert_element_type3A_388 = arith.extui %lt3A_387 : i1 to i32
      %cond3A_389 = arith.constant 0 : i32
      %cond3A_390 = arith.cmpi ne, %convert_element_type3A_388, %cond3A_389 : i32
      scf.if %cond3A_390 {
        %add3A_432 = arith.constant 3 : i32
        %add3A_433 = arith.addi %add3A_367, %add3A_432 : i32
        %add3A_434 = arith.addi %mul3A_2, %add3A_433 : i32
        %dma_wait3A_435 = arith.constant 1 : i32
        %dma_wait3A_436 = arith.constant 0 : i32
        %dma_wait3A_437 = arith.constant 0 : i32
        %dma_wait3A_438 = tpu.memref_slice %arg6[%dma_wait3A_435, %dma_wait3A_436, %dma_wait3A_437] : memref<6x2x120xi32, #tpu.memory_space<vmem>> -> memref<1x2x120xi32, #tpu.memory_space<vmem>>
        %dma_wait3A_439 = tpu.memref_squeeze %dma_wait3A_438 : memref<1x2x120xi32, #tpu.memory_space<vmem>> -> memref<2x120xi32, #tpu.memory_space<vmem>>
        %dma_wait3A_440 = arith.constant 0 : i32
        %dma_wait3A_441 = arith.constant 0 : i32
        %dma_wait3A_442 = tpu.memref_slice %arg3[%add3A_434, %dma_wait3A_440, %dma_wait3A_441] : memref<2688x2x120xi32, #tpu.memory_space<hbm>> -> memref<1x2x120xi32, #tpu.memory_space<hbm>>
        %dma_wait3A_443 = tpu.memref_squeeze %dma_wait3A_442 : memref<1x2x120xi32, #tpu.memory_space<hbm>> -> memref<2x120xi32, #tpu.memory_space<hbm>>
        %dma_wait3A_444 = arith.constant 0 : i32
        %dma_wait3A_445 = arith.constant 0 : i32
        %dma_wait3A_446 = tpu.memref_slice %arg6[%dma_wait3A_435, %dma_wait3A_444, %dma_wait3A_445] : memref<6x2x120xi32, #tpu.memory_space<vmem>> -> memref<1x2x120xi32, #tpu.memory_space<vmem>>
        %dma_wait3A_447 = tpu.memref_squeeze %dma_wait3A_446 : memref<1x2x120xi32, #tpu.memory_space<vmem>> -> memref<2x120xi32, #tpu.memory_space<vmem>>
        %dma_wait3A_448 = arith.constant 0 : i32
        %dma_wait3A_449 = arith.constant 0 : i32
        %dma_wait3A_450 = tpu.memref_slice %arg3[%add3A_434, %dma_wait3A_448, %dma_wait3A_449] : memref<2688x2x120xi32, #tpu.memory_space<hbm>> -> memref<1x2x120xi32, #tpu.memory_space<hbm>>
        %dma_wait3A_451 = tpu.memref_squeeze %dma_wait3A_450 : memref<1x2x120xi32, #tpu.memory_space<hbm>> -> memref<2x120xi32, #tpu.memory_space<hbm>>
        tpu.wait_dma2 semaphore(%arg10 : memref<!tpu.dma_semaphore, #tpu.memory_space<semaphore_mem>>) src(%dma_wait3A_451 : memref<2x120xi32, #tpu.memory_space<hbm>>) dst(%dma_wait3A_447 : memref<2x120xi32, #tpu.memory_space<vmem>>)
        %dma_start3A_452 = arith.constant 1 : i32
        %dma_start3A_453 = arith.constant 0 : i32
        %dma_start3A_454 = arith.constant 1 : i32
        %dma_start3A_455 = arith.constant 0 : i32
        %dma_start3A_456 = arith.constant 0 : i32
        %dma_start3A_457 = tpu.memref_slice %arg7[%dma_start3A_454, %dma_start3A_455, %dma_start3A_456] : memref<3x120x128xf32, #tpu.memory_space<vmem>> -> memref<1x120x128xf32, #tpu.memory_space<vmem>>
        %dma_start3A_458 = tpu.memref_squeeze %dma_start3A_457 : memref<1x120x128xf32, #tpu.memory_space<vmem>> -> memref<120x128xf32, #tpu.memory_space<vmem>>
        %dma_start3A_459 = arith.constant 0 : i32
        %dma_start3A_460 = tpu.memref_slice %arg6[%dma_start3A_452, %dma_start3A_453, %dma_start3A_459] : memref<6x2x120xi32, #tpu.memory_space<vmem>> -> memref<1x1x120xi32, #tpu.memory_space<vmem>>
        %dma_start3A_461 = tpu.memref_squeeze %dma_start3A_460 : memref<1x1x120xi32, #tpu.memory_space<vmem>> -> memref<120xi32, #tpu.memory_space<vmem>>
        %dma_start3A_462 = arith.constant 0 : i32
        %dma_start3A_463 = arith.constant 0 : i32
        %dma_start3A_464 = tpu.memref_slice %arg2[%dma_start3A_462, %dma_start3A_463] : memref<10128x128xf32, #tpu.memory_space<hbm>> -> memref<10128x128xf32, #tpu.memory_space<hbm>>
        tpu.enqueue_indirect_dma source(%dma_start3A_464 : memref<10128x128xf32, #tpu.memory_space<hbm>>) target(%dma_start3A_458 : memref<120x128xf32, #tpu.memory_space<vmem>>) offsets(%dma_start3A_461 : memref<120xi32, #tpu.memory_space<vmem>>) semaphore(%arg16 : memref<!tpu.dma_semaphore, #tpu.memory_space<semaphore_mem>>)
      } else {
      }
      %add3A_391 = arith.constant 6 : i32
      %add3A_392 = arith.addi %add3A_367, %add3A_391 : i32
      %lt3A_393 = arith.constant 84 : i32
      %lt3A_394 = arith.cmpi slt, %add3A_392, %lt3A_393 : i32
      %convert_element_type3A_395 = arith.extui %lt3A_394 : i1 to i32
      %cond3A_396 = arith.constant 0 : i32
      %cond3A_397 = arith.cmpi ne, %convert_element_type3A_395, %cond3A_396 : i32
      scf.if %cond3A_397 {
        %add3A_432 = arith.constant 6 : i32
        %add3A_433 = arith.addi %add3A_367, %add3A_432 : i32
        %add3A_434 = arith.addi %mul3A_2, %add3A_433 : i32
        %dma_start3A_435 = arith.constant 4 : i32
        %dma_start3A_436 = arith.constant 0 : i32
        %dma_start3A_437 = arith.constant 0 : i32
        %dma_start3A_438 = tpu.memref_slice %arg6[%dma_start3A_435, %dma_start3A_436, %dma_start3A_437] : memref<6x2x120xi32, #tpu.memory_space<vmem>> -> memref<1x2x120xi32, #tpu.memory_space<vmem>>
        %dma_start3A_439 = tpu.memref_squeeze %dma_start3A_438 : memref<1x2x120xi32, #tpu.memory_space<vmem>> -> memref<2x120xi32, #tpu.memory_space<vmem>>
        %dma_start3A_440 = arith.constant 0 : i32
        %dma_start3A_441 = arith.constant 0 : i32
        %dma_start3A_442 = tpu.memref_slice %arg3[%add3A_434, %dma_start3A_440, %dma_start3A_441] : memref<2688x2x120xi32, #tpu.memory_space<hbm>> -> memref<1x2x120xi32, #tpu.memory_space<hbm>>
        %dma_start3A_443 = tpu.memref_squeeze %dma_start3A_442 : memref<1x2x120xi32, #tpu.memory_space<hbm>> -> memref<2x120xi32, #tpu.memory_space<hbm>>
        %dma_start3A_444 = arith.constant 0 : i32
        %dma_start3A_445 = arith.constant 0 : i32
        %dma_start3A_446 = tpu.memref_slice %arg6[%dma_start3A_435, %dma_start3A_444, %dma_start3A_445] : memref<6x2x120xi32, #tpu.memory_space<vmem>> -> memref<1x2x120xi32, #tpu.memory_space<vmem>>
        %dma_start3A_447 = tpu.memref_squeeze %dma_start3A_446 : memref<1x2x120xi32, #tpu.memory_space<vmem>> -> memref<2x120xi32, #tpu.memory_space<vmem>>
        %dma_start3A_448 = arith.constant 0 : i32
        %dma_start3A_449 = arith.constant 0 : i32
        %dma_start3A_450 = tpu.memref_slice %arg3[%add3A_434, %dma_start3A_448, %dma_start3A_449] : memref<2688x2x120xi32, #tpu.memory_space<hbm>> -> memref<1x2x120xi32, #tpu.memory_space<hbm>>
        %dma_start3A_451 = tpu.memref_squeeze %dma_start3A_450 : memref<1x2x120xi32, #tpu.memory_space<hbm>> -> memref<2x120xi32, #tpu.memory_space<hbm>>
        tpu.enqueue_dma source(%dma_start3A_451 : memref<2x120xi32, #tpu.memory_space<hbm>>) target(%dma_start3A_447 : memref<2x120xi32, #tpu.memory_space<vmem>>) target_semaphore(%arg13 : memref<!tpu.dma_semaphore, #tpu.memory_space<semaphore_mem>>)
      } else {
      }
      %mul3A_398 = arith.constant 6 : i32
      %mul3A_399 = arith.muli %add3A_229, %mul3A_398 : i32
      %add3A_400 = arith.constant 5 : i32
      %add3A_401 = arith.addi %mul3A_399, %add3A_400 : i32
      %dma_wait3A_402 = arith.constant 5 : i32
      %dma_wait3A_403 = arith.constant 0 : i32
      %dma_wait3A_404 = arith.constant 2 : i32
      %dma_wait3A_405 = arith.constant 0 : i32
      %dma_wait3A_406 = arith.constant 0 : i32
      %dma_wait3A_407 = tpu.memref_slice %arg7[%dma_wait3A_404, %dma_wait3A_405, %dma_wait3A_406] : memref<3x120x128xf32, #tpu.memory_space<vmem>> -> memref<1x120x128xf32, #tpu.memory_space<vmem>>
      %dma_wait3A_408 = tpu.memref_squeeze %dma_wait3A_407 : memref<1x120x128xf32, #tpu.memory_space<vmem>> -> memref<120x128xf32, #tpu.memory_space<vmem>>
      %dma_wait3A_409 = arith.constant 0 : i32
      %dma_wait3A_410 = tpu.memref_slice %arg6[%dma_wait3A_402, %dma_wait3A_403, %dma_wait3A_409] : memref<6x2x120xi32, #tpu.memory_space<vmem>> -> memref<1x1x120xi32, #tpu.memory_space<vmem>>
      %dma_wait3A_411 = tpu.memref_squeeze %dma_wait3A_410 : memref<1x1x120xi32, #tpu.memory_space<vmem>> -> memref<120xi32, #tpu.memory_space<vmem>>
      %dma_wait3A_412 = arith.constant 0 : i32
      %dma_wait3A_413 = arith.constant 0 : i32
      %dma_wait3A_414 = tpu.memref_slice %arg2[%dma_wait3A_412, %dma_wait3A_413] : memref<10128x128xf32, #tpu.memory_space<hbm>> -> memref<10128x128xf32, #tpu.memory_space<hbm>>
      tpu.wait_indirect_dma semaphore(%arg17 : memref<!tpu.dma_semaphore, #tpu.memory_space<semaphore_mem>>) src(%dma_wait3A_414 : memref<10128x128xf32, #tpu.memory_space<hbm>>) dst(%dma_wait3A_408 : memref<120x128xf32, #tpu.memory_space<vmem>>)
      %run_scoped3A_415 = arith.constant 2 : i32
      %run_scoped3A_416 = arith.constant 5 : i32
      %run_scoped3A_417 = arith.constant 1 : i32
      "tpu.region"() ({
        %run_scoped3A_432 = tpu.sem_alloc : memref<!tpu.dma_semaphore, #tpu.memory_space<semaphore_mem>>
        %dma_start3A_433 = arith.constant 0 : i32
        %dma_start3A_434 = arith.constant 0 : i32
        %dma_start3A_435 = tpu.memref_slice %arg7[%run_scoped3A_415, %dma_start3A_433, %dma_start3A_434] : memref<3x120x128xf32, #tpu.memory_space<vmem>> -> memref<1x120x128xf32, #tpu.memory_space<vmem>>
        %dma_start3A_436 = tpu.memref_squeeze %dma_start3A_435 : memref<1x120x128xf32, #tpu.memory_space<vmem>> -> memref<120x128xf32, #tpu.memory_space<vmem>>
        %dma_start3A_437 = arith.constant 0 : i32
        %dma_start3A_438 = tpu.memref_slice %arg6[%run_scoped3A_416, %run_scoped3A_417, %dma_start3A_437] : memref<6x2x120xi32, #tpu.memory_space<vmem>> -> memref<1x1x120xi32, #tpu.memory_space<vmem>>
        %dma_start3A_439 = tpu.memref_squeeze %dma_start3A_438 : memref<1x1x120xi32, #tpu.memory_space<vmem>> -> memref<120xi32, #tpu.memory_space<vmem>>
        %dma_start3A_440 = arith.constant 0 : i32
        %dma_start3A_441 = arith.constant 0 : i32
        %dma_start3A_442 = tpu.memref_slice %arg8[%dma_start3A_440, %dma_start3A_441] : memref<10000x128xf32, #tpu.memory_space<vmem_shared>> -> memref<10000x128xf32, #tpu.memory_space<vmem_shared>>
        tpu.enqueue_indirect_dma source(%dma_start3A_436 : memref<120x128xf32, #tpu.memory_space<vmem>>) target(%dma_start3A_442 : memref<10000x128xf32, #tpu.memory_space<vmem_shared>>) offsets(%dma_start3A_439 : memref<120xi32, #tpu.memory_space<vmem>>) semaphore(%run_scoped3A_432 : memref<!tpu.dma_semaphore, #tpu.memory_space<semaphore_mem>>) {add = true}
        %dma_wait3A_443 = arith.constant 0 : i32
        %dma_wait3A_444 = arith.constant 0 : i32
        %dma_wait3A_445 = tpu.memref_slice %arg7[%run_scoped3A_415, %dma_wait3A_443, %dma_wait3A_444] : memref<3x120x128xf32, #tpu.memory_space<vmem>> -> memref<1x120x128xf32, #tpu.memory_space<vmem>>
        %dma_wait3A_446 = tpu.memref_squeeze %dma_wait3A_445 : memref<1x120x128xf32, #tpu.memory_space<vmem>> -> memref<120x128xf32, #tpu.memory_space<vmem>>
        %dma_wait3A_447 = arith.constant 0 : i32
        %dma_wait3A_448 = tpu.memref_slice %arg6[%run_scoped3A_416, %run_scoped3A_417, %dma_wait3A_447] : memref<6x2x120xi32, #tpu.memory_space<vmem>> -> memref<1x1x120xi32, #tpu.memory_space<vmem>>
        %dma_wait3A_449 = tpu.memref_squeeze %dma_wait3A_448 : memref<1x1x120xi32, #tpu.memory_space<vmem>> -> memref<120xi32, #tpu.memory_space<vmem>>
        %dma_wait3A_450 = arith.constant 0 : i32
        %dma_wait3A_451 = arith.constant 0 : i32
        %dma_wait3A_452 = tpu.memref_slice %arg8[%dma_wait3A_450, %dma_wait3A_451] : memref<10000x128xf32, #tpu.memory_space<vmem_shared>> -> memref<10000x128xf32, #tpu.memory_space<vmem_shared>>
        tpu.wait_indirect_dma semaphore(%run_scoped3A_432 : memref<!tpu.dma_semaphore, #tpu.memory_space<semaphore_mem>>) src(%dma_wait3A_446 : memref<120x128xf32, #tpu.memory_space<vmem>>) dst(%dma_wait3A_452 : memref<10000x128xf32, #tpu.memory_space<vmem_shared>>)
        tpu.yield
      }) : () -> ()
      %add3A_418 = arith.constant 3 : i32
      %add3A_419 = arith.addi %add3A_401, %add3A_418 : i32
      %lt3A_420 = arith.constant 84 : i32
      %lt3A_421 = arith.cmpi slt, %add3A_419, %lt3A_420 : i32
      %convert_element_type3A_422 = arith.extui %lt3A_421 : i1 to i32
      %cond3A_423 = arith.constant 0 : i32
      %cond3A_424 = arith.cmpi ne, %convert_element_type3A_422, %cond3A_423 : i32
      scf.if %cond3A_424 {
        %add3A_432 = arith.constant 3 : i32
        %add3A_433 = arith.addi %add3A_401, %add3A_432 : i32
        %add3A_434 = arith.addi %mul3A_2, %add3A_433 : i32
        %dma_wait3A_435 = arith.constant 2 : i32
        %dma_wait3A_436 = arith.constant 0 : i32
        %dma_wait3A_437 = arith.constant 0 : i32
        %dma_wait3A_438 = tpu.memref_slice %arg6[%dma_wait3A_435, %dma_wait3A_436, %dma_wait3A_437] : memref<6x2x120xi32, #tpu.memory_space<vmem>> -> memref<1x2x120xi32, #tpu.memory_space<vmem>>
        %dma_wait3A_439 = tpu.memref_squeeze %dma_wait3A_438 : memref<1x2x120xi32, #tpu.memory_space<vmem>> -> memref<2x120xi32, #tpu.memory_space<vmem>>
        %dma_wait3A_440 = arith.constant 0 : i32
        %dma_wait3A_441 = arith.constant 0 : i32
        %dma_wait3A_442 = tpu.memref_slice %arg3[%add3A_434, %dma_wait3A_440, %dma_wait3A_441] : memref<2688x2x120xi32, #tpu.memory_space<hbm>> -> memref<1x2x120xi32, #tpu.memory_space<hbm>>
        %dma_wait3A_443 = tpu.memref_squeeze %dma_wait3A_442 : memref<1x2x120xi32, #tpu.memory_space<hbm>> -> memref<2x120xi32, #tpu.memory_space<hbm>>
        %dma_wait3A_444 = arith.constant 0 : i32
        %dma_wait3A_445 = arith.constant 0 : i32
        %dma_wait3A_446 = tpu.memref_slice %arg6[%dma_wait3A_435, %dma_wait3A_444, %dma_wait3A_445] : memref<6x2x120xi32, #tpu.memory_space<vmem>> -> memref<1x2x120xi32, #tpu.memory_space<vmem>>
        %dma_wait3A_447 = tpu.memref_squeeze %dma_wait3A_446 : memref<1x2x120xi32, #tpu.memory_space<vmem>> -> memref<2x120xi32, #tpu.memory_space<vmem>>
        %dma_wait3A_448 = arith.constant 0 : i32
        %dma_wait3A_449 = arith.constant 0 : i32
        %dma_wait3A_450 = tpu.memref_slice %arg3[%add3A_434, %dma_wait3A_448, %dma_wait3A_449] : memref<2688x2x120xi32, #tpu.memory_space<hbm>> -> memref<1x2x120xi32, #tpu.memory_space<hbm>>
        %dma_wait3A_451 = tpu.memref_squeeze %dma_wait3A_450 : memref<1x2x120xi32, #tpu.memory_space<hbm>> -> memref<2x120xi32, #tpu.memory_space<hbm>>
        tpu.wait_dma2 semaphore(%arg11 : memref<!tpu.dma_semaphore, #tpu.memory_space<semaphore_mem>>) src(%dma_wait3A_451 : memref<2x120xi32, #tpu.memory_space<hbm>>) dst(%dma_wait3A_447 : memref<2x120xi32, #tpu.memory_space<vmem>>)
        %dma_start3A_452 = arith.constant 2 : i32
        %dma_start3A_453 = arith.constant 0 : i32
        %dma_start3A_454 = arith.constant 2 : i32
        %dma_start3A_455 = arith.constant 0 : i32
        %dma_start3A_456 = arith.constant 0 : i32
        %dma_start3A_457 = tpu.memref_slice %arg7[%dma_start3A_454, %dma_start3A_455, %dma_start3A_456] : memref<3x120x128xf32, #tpu.memory_space<vmem>> -> memref<1x120x128xf32, #tpu.memory_space<vmem>>
        %dma_start3A_458 = tpu.memref_squeeze %dma_start3A_457 : memref<1x120x128xf32, #tpu.memory_space<vmem>> -> memref<120x128xf32, #tpu.memory_space<vmem>>
        %dma_start3A_459 = arith.constant 0 : i32
        %dma_start3A_460 = tpu.memref_slice %arg6[%dma_start3A_452, %dma_start3A_453, %dma_start3A_459] : memref<6x2x120xi32, #tpu.memory_space<vmem>> -> memref<1x1x120xi32, #tpu.memory_space<vmem>>
        %dma_start3A_461 = tpu.memref_squeeze %dma_start3A_460 : memref<1x1x120xi32, #tpu.memory_space<vmem>> -> memref<120xi32, #tpu.memory_space<vmem>>
        %dma_start3A_462 = arith.constant 0 : i32
        %dma_start3A_463 = arith.constant 0 : i32
        %dma_start3A_464 = tpu.memref_slice %arg2[%dma_start3A_462, %dma_start3A_463] : memref<10128x128xf32, #tpu.memory_space<hbm>> -> memref<10128x128xf32, #tpu.memory_space<hbm>>
        tpu.enqueue_indirect_dma source(%dma_start3A_464 : memref<10128x128xf32, #tpu.memory_space<hbm>>) target(%dma_start3A_458 : memref<120x128xf32, #tpu.memory_space<vmem>>) offsets(%dma_start3A_461 : memref<120xi32, #tpu.memory_space<vmem>>) semaphore(%arg17 : memref<!tpu.dma_semaphore, #tpu.memory_space<semaphore_mem>>)
      } else {
      }
      %add3A_425 = arith.constant 6 : i32
      %add3A_426 = arith.addi %add3A_401, %add3A_425 : i32
      %lt3A_427 = arith.constant 84 : i32
      %lt3A_428 = arith.cmpi slt, %add3A_426, %lt3A_427 : i32
      %convert_element_type3A_429 = arith.extui %lt3A_428 : i1 to i32
      %cond3A_430 = arith.constant 0 : i32
      %cond3A_431 = arith.cmpi ne, %convert_element_type3A_429, %cond3A_430 : i32
      scf.if %cond3A_431 {
        %add3A_432 = arith.constant 6 : i32
        %add3A_433 = arith.addi %add3A_401, %add3A_432 : i32
        %add3A_434 = arith.addi %mul3A_2, %add3A_433 : i32
        %dma_start3A_435 = arith.constant 5 : i32
        %dma_start3A_436 = arith.constant 0 : i32
        %dma_start3A_437 = arith.constant 0 : i32
        %dma_start3A_438 = tpu.memref_slice %arg6[%dma_start3A_435, %dma_start3A_436, %dma_start3A_437] : memref<6x2x120xi32, #tpu.memory_space<vmem>> -> memref<1x2x120xi32, #tpu.memory_space<vmem>>
        %dma_start3A_439 = tpu.memref_squeeze %dma_start3A_438 : memref<1x2x120xi32, #tpu.memory_space<vmem>> -> memref<2x120xi32, #tpu.memory_space<vmem>>
        %dma_start3A_440 = arith.constant 0 : i32
        %dma_start3A_441 = arith.constant 0 : i32
        %dma_start3A_442 = tpu.memref_slice %arg3[%add3A_434, %dma_start3A_440, %dma_start3A_441] : memref<2688x2x120xi32, #tpu.memory_space<hbm>> -> memref<1x2x120xi32, #tpu.memory_space<hbm>>
        %dma_start3A_443 = tpu.memref_squeeze %dma_start3A_442 : memref<1x2x120xi32, #tpu.memory_space<hbm>> -> memref<2x120xi32, #tpu.memory_space<hbm>>
        %dma_start3A_444 = arith.constant 0 : i32
        %dma_start3A_445 = arith.constant 0 : i32
        %dma_start3A_446 = tpu.memref_slice %arg6[%dma_start3A_435, %dma_start3A_444, %dma_start3A_445] : memref<6x2x120xi32, #tpu.memory_space<vmem>> -> memref<1x2x120xi32, #tpu.memory_space<vmem>>
        %dma_start3A_447 = tpu.memref_squeeze %dma_start3A_446 : memref<1x2x120xi32, #tpu.memory_space<vmem>> -> memref<2x120xi32, #tpu.memory_space<vmem>>
        %dma_start3A_448 = arith.constant 0 : i32
        %dma_start3A_449 = arith.constant 0 : i32
        %dma_start3A_450 = tpu.memref_slice %arg3[%add3A_434, %dma_start3A_448, %dma_start3A_449] : memref<2688x2x120xi32, #tpu.memory_space<hbm>> -> memref<1x2x120xi32, #tpu.memory_space<hbm>>
        %dma_start3A_451 = tpu.memref_squeeze %dma_start3A_450 : memref<1x2x120xi32, #tpu.memory_space<hbm>> -> memref<2x120xi32, #tpu.memory_space<hbm>>
        tpu.enqueue_dma source(%dma_start3A_451 : memref<2x120xi32, #tpu.memory_space<hbm>>) target(%dma_start3A_447 : memref<2x120xi32, #tpu.memory_space<vmem>>) target_semaphore(%arg14 : memref<!tpu.dma_semaphore, #tpu.memory_space<semaphore_mem>>)
      } else {
      }
    }
    %scan3A_218 = arith.constant 14 : i32
    %barrier3A_219 = arith.constant 0 : index
    tpu.barrier barrier_id(%barrier3A_219)
    "tpu.region"() ({
      %run_scoped3A = tpu.sem_alloc : memref<!tpu.dma_semaphore, #tpu.memory_space<semaphore_mem>>
      %dma_start3A_225 = arith.constant 0 : i32
      %dma_start3A_226 = tpu.memref_slice %arg5[%arg0, %mul3A_117, %dma_start3A_225] : memref<2x10000x128xf32, #tpu.memory_space<hbm>> -> memref<1x624x128xf32, #tpu.memory_space<hbm>>
      %dma_start3A_227 = tpu.memref_squeeze %dma_start3A_226 : memref<1x624x128xf32, #tpu.memory_space<hbm>> -> memref<624x128xf32, #tpu.memory_space<hbm>>
      %dma_start3A_228 = arith.constant 0 : i32
      %dma_start3A_229 = tpu.memref_slice %arg8[%mul3A_117, %dma_start3A_228] : memref<10000x128xf32, #tpu.memory_space<vmem_shared>> -> memref<624x128xf32, #tpu.memory_space<vmem_shared>>
      tpu.enqueue_dma source(%dma_start3A_229 : memref<624x128xf32, #tpu.memory_space<vmem_shared>>) target(%dma_start3A_227 : memref<624x128xf32, #tpu.memory_space<hbm>>) target_semaphore(%run_scoped3A : memref<!tpu.dma_semaphore, #tpu.memory_space<semaphore_mem>>)
      %dma_wait3A_230 = arith.constant 0 : i32
      %dma_wait3A_231 = tpu.memref_slice %arg5[%arg0, %mul3A_117, %dma_wait3A_230] : memref<2x10000x128xf32, #tpu.memory_space<hbm>> -> memref<1x624x128xf32, #tpu.memory_space<hbm>>
      %dma_wait3A_232 = tpu.memref_squeeze %dma_wait3A_231 : memref<1x624x128xf32, #tpu.memory_space<hbm>> -> memref<624x128xf32, #tpu.memory_space<hbm>>
      %dma_wait3A_233 = arith.constant 0 : i32
      %dma_wait3A_234 = tpu.memref_slice %arg8[%mul3A_117, %dma_wait3A_233] : memref<10000x128xf32, #tpu.memory_space<vmem_shared>> -> memref<624x128xf32, #tpu.memory_space<vmem_shared>>
      tpu.wait_dma2 semaphore(%run_scoped3A : memref<!tpu.dma_semaphore, #tpu.memory_space<semaphore_mem>>) src(%dma_wait3A_234 : memref<624x128xf32, #tpu.memory_space<vmem_shared>>) dst(%dma_wait3A_232 : memref<624x128xf32, #tpu.memory_space<hbm>>)
      tpu.yield
    }) : () -> ()
    %eq3A_220 = arith.constant 15 : i32
    %eq3A_221 = arith.cmpi eq, %arg1, %eq3A_220 : i32
    %convert_element_type3A_222 = arith.extui %eq3A_221 : i1 to i32
    %cond3A_223 = arith.constant 0 : i32
    %cond3A_224 = arith.cmpi ne, %convert_element_type3A_222, %cond3A_223 : i32
    scf.if %cond3A_224 {
      "tpu.region"() ({
        %run_scoped3A = tpu.sem_alloc : memref<!tpu.dma_semaphore, #tpu.memory_space<semaphore_mem>>
        %dma_start3A_225 = arith.constant 9984 : i32
        %dma_start3A_226 = arith.constant 0 : i32
        %dma_start3A_227 = tpu.memref_slice %arg5[%arg0, %dma_start3A_225, %dma_start3A_226] : memref<2x10000x128xf32, #tpu.memory_space<hbm>> -> memref<1x16x128xf32, #tpu.memory_space<hbm>>
        %dma_start3A_228 = tpu.memref_squeeze %dma_start3A_227 : memref<1x16x128xf32, #tpu.memory_space<hbm>> -> memref<16x128xf32, #tpu.memory_space<hbm>>
        %dma_start3A_229 = arith.constant 9984 : i32
        %dma_start3A_230 = arith.constant 0 : i32
        %dma_start3A_231 = tpu.memref_slice %arg8[%dma_start3A_229, %dma_start3A_230] : memref<10000x128xf32, #tpu.memory_space<vmem_shared>> -> memref<16x128xf32, #tpu.memory_space<vmem_shared>>
        tpu.enqueue_dma source(%dma_start3A_231 : memref<16x128xf32, #tpu.memory_space<vmem_shared>>) target(%dma_start3A_228 : memref<16x128xf32, #tpu.memory_space<hbm>>) target_semaphore(%run_scoped3A : memref<!tpu.dma_semaphore, #tpu.memory_space<semaphore_mem>>)
        %dma_wait3A_232 = arith.constant 9984 : i32
        %dma_wait3A_233 = arith.constant 0 : i32
        %dma_wait3A_234 = tpu.memref_slice %arg5[%arg0, %dma_wait3A_232, %dma_wait3A_233] : memref<2x10000x128xf32, #tpu.memory_space<hbm>> -> memref<1x16x128xf32, #tpu.memory_space<hbm>>
        %dma_wait3A_235 = tpu.memref_squeeze %dma_wait3A_234 : memref<1x16x128xf32, #tpu.memory_space<hbm>> -> memref<16x128xf32, #tpu.memory_space<hbm>>
        %dma_wait3A_236 = arith.constant 9984 : i32
        %dma_wait3A_237 = arith.constant 0 : i32
        %dma_wait3A_238 = tpu.memref_slice %arg8[%dma_wait3A_236, %dma_wait3A_237] : memref<10000x128xf32, #tpu.memory_space<vmem_shared>> -> memref<16x128xf32, #tpu.memory_space<vmem_shared>>
        tpu.wait_dma2 semaphore(%run_scoped3A : memref<!tpu.dma_semaphore, #tpu.memory_space<semaphore_mem>>) src(%dma_wait3A_238 : memref<16x128xf32, #tpu.memory_space<vmem_shared>>) dst(%dma_wait3A_235 : memref<16x128xf32, #tpu.memory_space<hbm>>)
        tpu.yield
      }) : () -> ()
    } else {
    }
    return
  }
}

</mosaic_0001>

<sc_bundles>
// kernel: _sc_aggregate.3.cloned.1.call-start
scs
__scs_entry_jumppad:
0x0: {  	(pc) =	sbr.rel $0x88, $3  }
0x1: {  	(tag) =	ssettag $0x0;
	lr =	simm.s32 $0x1  }
0x2: {  	[smem:$0x3F9E] =	sst lr;
	_ =	strace $0xD0000000  }
0x3: {  	_ = 	snop  }
0x4: {  	_ = 	snop  }
0x5: {  	_ = 	snop  }
0x6: {  	_ = 	snop  }
0x7: {  	_ = 	snop  }
__scs_overlays_trampoline_lowered:
0x8: {  	[smem:$0x3FAD] =	sst s0  }
0x9: {  	[smem:$0x3FAE] =	sst s1  }
0xa: {  	[smem:$0x3FAF] =	sst s2  }
0xb: {  	[smem:$0x3FB0] =	sst s3  }
0xc: {  	[smem:$0x3FB1] =	sst s4  }
0xd: {  	[smem:$0x3FB2] =	sst s5  }
0xe: {  	[smem:$0x3FB3] =	sst s6  }
0xf: {  	[smem:$0x3FB4] =	sst s7  }
0x10: {  	[smem:$0x3FB5] =	sst s8  }
0x11: {  	[smem:$0x3FB6] =	sst s9;
	s0 =	simm.s32 @!p0 $0x0  }
0x12: {  	s1 =	sld [smem:$0x3F9C];
	s0 =	simm.s32 @p0 $0x1  }
0x13: {  	[smem:$0x3FB7] =	sst s0;
	s0 =	simm.s32 @!p1 $0x0  }
0x14: {  	s2 =	sld [smem:$0x3F9B];
	s0 =	simm.s32 @p1 $0x1  }
0x15: {  	[smem:$0x3FB8] =	sst s0;
	s0 =	simm.s32 @!p2 $0x0  }
0x16: {  	s3 =	sld [smem:$0x3FDB];
	s0 =	simm.s32 @p2 $0x1  }
0x17: {  	s4 =	simm.s32 $0x1BF5;
	[smem:$0x3FBA] =	sst s0  }
0x18: {  	s0 =	sld [smem:$0x3F9D];
	_ =	swait.ge [sflag:s4], $0x0  }
0x19: {  	s7 =	sld [smem:$0x3F9E]  }
0x1a: {  	s8 =	sadd.s32 $0xFFFFE003, lr  }
0x1b: {  	s9 =	sadd.s32 $0xFFFFFEF7, lr;
	s5 =	simm.s32 $0xFFFFFFFF;
	p2 =	slt.u32 s8, $0xFFFFF086  }
0x1c: {  	p1 =	slt.u32 s9, $0xF7A;
	s5 =	simm.s32 @!p2 $0x0  }
0x1d: {  	s5 =	simm.s32 @p1 $0x1;
	p0 =	seq.s32 s7, s2  }
0x1e: {  	s7 =	smul.u32 @!p0 $0xF7A, s2;
	p2 =	seq.s32 @!p0 s5, $0x0  }
0x1f: {  	s9 =	smul.u32 $0xF7A, s1;
	s8 =	simm.s32 @!p0 $0x1BF5;
	p2 =	por !p2, p0  }
0x20: {  	[sflag:s8] =	ssyncset.s32 @!p0 $0xFFFFF086;
	s6 =	sadd.s32 @!p0 s3, s7;
	s7 =	simm.s32 @!p0 $0x108  }
0x21: {  	s3 =	sadd.s32 s3, s9;
	s6 =	sadd.s32 @!p0 $0x88, s6;
	s7 =	simm.s32 @p2 $0x1082  }
0x22: {  	[simem:s7], [sflag:s8] =	dma.local @!p0 [hbm:s6], $0xF7A  }
0x23: {  	s9 =	sor.u32 $0xD0000000, s2;
	s6 =	simm.s32 $0x108;
	_ =	swait.ge @!p0 [sflag:s8], $0x0  }
0x24: {  	s3 =	sadd.s32 $0x88, s3;
	s6 =	simm.s32 @!p1 $0x1082;
	[sflag:s4] =	ssyncset.s32 $0xFFFFF086  }
0x25: {  	[simem:s6], [sflag:s4] =	dma.local [hbm:s3], $0xF7A  }
0x26: {  	[smem:$0x3F9E] =	sst s1;
	(tag) =	ssettag s2;
	_ =	strace s9  }
0x27: {  	s1 =	sld [smem:$0x3FAE]  }
0x28: {  	s2 =	sld [smem:$0x3FAF]  }
0x29: {  	s4 =	sld [smem:$0x3FB1]  }
0x2a: {  	p0 =	seq.s32 s5, $0x0;
	s5 =	sld [smem:$0x3FB2]  }
0x2b: {  	s6 =	sld [smem:$0x3FB3]  }
0x2c: {  	s7 =	sld [smem:$0x3FB4]  }
0x2d: {  	s3 =	simm.s32 $0x108;
	s8 =	sld [smem:$0x3FB5]  }
0x2e: {  	s3 =	simm.s32 @!p0 $0x1082;
	s9 =	sld [smem:$0x3FB6]  }
0x2f: {  	lr =	sadd.s32 s0, s3;
	s0 =	sld [smem:$0x3FAD]  }
0x30: {  	s3 =	sld [smem:$0x3FB0]  }
0x31: {  	[smem:$0x3FB9] =	sst s10  }
0x32: {  	s10 =	sld [smem:$0x3FB7];
	_ =	sdelay $0x3  }
0x33: {  	p0 =	seq.s32 s10, $0x1;
	s10 =	sld [smem:$0x3FB9];
	_ =	sdelay $0x3  }
0x34: {  	[smem:$0x3FB9] =	sst s10  }
0x35: {  	s10 =	sld [smem:$0x3FB8];
	_ =	sdelay $0x3  }
0x36: {  	p1 =	seq.s32 s10, $0x1;
	s10 =	sld [smem:$0x3FB9];
	_ =	sdelay $0x3  }
0x37: {  	[smem:$0x3FB9] =	sst s10  }
0x38: {  	s10 =	sld [smem:$0x3FBA]  }
0x39: {  	_ = 	snop;
	(pc) =	sbr.ind lr, $3  }
0x3a: {  	_ = 	snop  }
0x3b: {  	_ = 	snop  }
0x3c: {  	p2 =	seq.s32 s10, $0x1;
	s10 =	sld [smem:$0x3FB9]  }
0x3d: {  	_ =	shalt  }
0x3e: {  	_ =	shalt  }
0x3f: {  	_ =	shalt  }
0x40: {  	_ =	shalt  }
0x41: {  	_ =	shalt  }
0x42: {  	_ =	shalt  }
0x43: {  	_ =	shalt  }
0x44: {  	_ =	shalt  }
0x45: {  	_ =	shalt  }
0x46: {  	_ =	shalt  }
0x47: {  	_ =	shalt  }
0x48: {  	_ =	shalt  }
0x49: {  	_ =	shalt  }
0x4a: {  	_ =	shalt  }
0x4b: {  	_ =	shalt  }
0x4c: {  	_ =	shalt  }
0x4d: {  	_ =	shalt  }
0x4e: {  	_ =	shalt  }
0x4f: {  	_ =	shalt  }
0x50: {  	_ =	shalt  }
0x51: {  	_ =	shalt  }
0x52: {  	_ =	shalt  }
0x53: {  	_ =	shalt  }
0x54: {  	_ =	shalt  }
0x55: {  	_ =	shalt  }
0x56: {  	_ =	shalt  }
0x57: {  	_ =	shalt  }
0x58: {  	_ =	shalt  }
0x59: {  	_ =	shalt  }
0x5a: {  	_ =	shalt  }
0x5b: {  	_ =	shalt  }
0x5c: {  	_ =	shalt  }
0x5d: {  	_ =	shalt  }
0x5e: {  	_ =	shalt  }
0x5f: {  	_ =	shalt  }
0x60: {  	_ =	shalt  }
0x61: {  	_ =	shalt  }
0x62: {  	_ =	shalt  }
0x63: {  	_ =	shalt  }
0x64: {  	_ =	shalt  }
0x65: {  	_ =	shalt  }
0x66: {  	_ =	shalt  }
0x67: {  	_ =	shalt  }
0x68: {  	_ =	shalt  }
0x69: {  	_ =	shalt  }
0x6a: {  	_ =	shalt  }
0x6b: {  	_ =	shalt  }
0x6c: {  	_ =	shalt  }
0x6d: {  	_ =	shalt  }
0x6e: {  	_ =	shalt  }
0x6f: {  	_ =	shalt  }
0x70: {  	_ =	shalt  }
0x71: {  	_ =	shalt  }
0x72: {  	_ =	shalt  }
0x73: {  	_ =	shalt  }
0x74: {  	_ =	shalt  }
0x75: {  	_ =	shalt  }
0x76: {  	_ =	shalt  }
0x77: {  	_ =	shalt  }
0x78: {  	_ =	shalt  }
0x79: {  	_ =	shalt  }
0x7a: {  	_ =	shalt  }
0x7b: {  	_ =	shalt  }
0x7c: {  	_ =	shalt  }
0x7d: {  	_ =	shalt  }
0x7e: {  	_ =	shalt  }
0x7f: {  	_ =	shalt  }
0x80: {  	_ =	shalt  }
0x81: {  	_ =	shalt  }
0x82: {  	_ =	shalt  }
0x83: {  	_ =	shalt  }
0x84: {  	_ =	shalt  }
0x85: {  	_ =	shalt  }
0x86: {  	_ =	shalt  }
0x87: {  	_ =	shalt  }
.Lfunc_end0:
.L_simem_size_0:
called_computation_lowered:
.L_overlay_start_0:
0x88: {  	s2 =	sld [smem:$0x3FD9]  }
0x89: {  	s3 =	sld [smem:$0x3FFE];
	_ =	sdelay $0x1  }
0x8a: {  	s1 =	srdreg.scid  }
0x8b: {  	s0 =	sand.u32 $0x1, s1  }
0x8c: {  	s17 =	sshll.u32 s0, $0xA;
	s2 =	sadd.s32 s3, s2  }
0x8d: {  	s2 =	sadd.s32 s2, s17  }
0x8e: {  	[smem:$0x3FC5] =	sst s2  }
0x8f: {  	_ = 	snop  }
0x90: {  	s2 =	sld [smem:$0x3FC9]  }
0x91: {  	s18 =	sld [smem:$0x3FC7]  }
0x92: {  	s4 =	sld [smem:$0x3FD0];
	(tm) =	ssettm $0x1  }
0x93: {  	s5 =	sld [smem:$0x3FFB];
	_ =	sdelay $0x3  }
0x94: {  	_ =	strace s5  }
0x95: {  	s5 =	sld [smem:$0x3FFC];
	_ =	sdelay $0x3  }
0x96: {  	_ =	strace s5  }
0x97: {  	s5 =	sld [smem:$0x3FFD];
	_ =	sdelay $0x3  }
0x98: {  	_ =	strace s5  }
0x99: {  	_ =	strace $0x8FFFFFFF  }
0x9a: {  	s19 =	sld [smem:$0x3FDB];
	_ =	sdelay $0x1  }
0x9b: {  	s6 =	simm.s32 $_scs_section_size  }
0x9c: {  	s7 =	simm.s32 $_size__tile_overlayer_lowered;
	s8 =	simm.s32 $_tile_overlayer_lowered  }
0x9d: {  	s22 =	simm.s32 $0x1BFF;
	s21 =	sshll.u32 s8, $0x1;
	s5 =	sadd.s32 s6, s19  }
0x9e: {  	s9 =	simm.s32 $0x0;
	s20 =	sshll.u32 s7, $0x1;
	s7 =	sadd.s32 s21, s5  }
0x9f: {  	[timem:s9], [sflag:s22] =	dma.local [hbm:s7], s20  }
0xa0: {  	_ =	swait.ge [sflag:s22], s20  }
0xa1: {  	s6 =	ssub.s32 $0x0, s20;
	[sflag:s22] =	ssyncset.done $0x0  }
0xa2: {  	[sflag:s22] =	ssyncadd.s32 s6;
	_ =	sdelay $0x1  }
0xa3: {  	s23 =	simm.s32 $0x1B8B  }
0xa4: {  	_ =	swait.ge [sflag:s23], $0x1  }
0xa5: {  	[sflag:s23] =	ssyncset.done $0x0  }
0xa6: {  	s25 =	simm.s32 $0x1B8E;
	s24 =	sld [smem:$0x3FFE];
	[sflag:s23] =	ssyncadd.s32 $0xFFFFFFFF  }
0xa7: {  	s26 =	simm.s32 $execute0_lowered;
	[smem:$0x3FD2] =	sst s25  }
0xa8: {  	s7 =	sshll.u32 s26, $0x1;
	_ =	strace $0x80000046;
	[dreg:$0x1] =	wrdreg $0xFFFFFFFF  }
0xa9: {  	s28 =	simm.s32 $_size_execute0_lowered;
	s5 =	sadd.s32 s5, s7;
	[dreg:$0x0] =	wrdreg $0x0  }
0xaa: {  	s7 =	sshll.u32 s28, $0x1;
	[dreg:$0x2] =	wrdreg s5  }
0xab: {  	[dreg:$0x3] =	wrdreg s7  }
0xac: {  	[dreg:$0x4] =	wrdreg $0xC0  }
0xad: {  	_ =	task [dreg:s9], $0x5FFFF  }
0xae: {  	[dreg:$0x1] =	wrdreg $0xFFFFFFFF  }
0xaf: {  	[dreg:$0x0] =	wrdreg $0x60  }
0xb0: {  	[dreg:$0x2] =	wrdreg s2  }
0xb1: {  	[dreg:$0x3] =	wrdreg s24  }
0xb2: {  	[dreg:$0x4] =	wrdreg s18  }
0xb3: {  	[dreg:$0x5] =	wrdreg s4  }
0xb4: {  	[dreg:$0x6] =	wrdreg $0xBA000  }
0xb5: {  	[dreg:$0x7] =	wrdreg $0x9  }
0xb6: {  	_ =	task.clear_ibuf [dreg:s9], $0x8FFFF;
	_ =	strace $0x90000046  }
0xb7: {  	s29 =	simm.s32 $0x9;
	_ =	strace $0x80000048  }
0xb8: {  	_ =	swait.ge [sflag:s29], $0x1  }
0xb9: {  	[sflag:s29] =	ssyncadd.s32 $0xFFFFFFFF  }
0xba: {  	_ =	strace $0x90000048  }
0xbb: {  	_ =	sfence  }
0xbc: {  	s30 =	sld [smem:$0x0];
	_ =	sdelay $0x2  }
0xbd: {  	s31 =	sshll.u32 s1, $0xD;
	s1 =	sshrl.u32 s1, $0x2  }
0xbe: {  	s3 =	sand.u32 $0x4000, s31;
	s1 =	sadd.s32 s1, s30  }
0xbf: {  	s0 =	sor.u32 s3, s0;
	s1 =	sshll.u32 s1, $0x11  }
0xc0: {  	s0 =	sor.u32 s1, s0  }
0xc1: {  	s0 =	sadd.s32 $0x8F2B, s0  }
0xc2: {  	[sflag:s0] =	ssyncadd.remote.s32 $0x1  }
0xc3: {  	_ =	sfence.sel $0xFFFF  }
0xc4: {  	[dreg:$0x0] =	wrdreg $0xFFFFFFFF;
	(pc) =	sbr.abs _section_cstart, $3  }
0xc5: {  	[dreg:$0x1] =	wrdreg $0xFFFFFFFF  }
0xc6: {  	_ =	task.clear_ibuf [dreg:s9], $0x2FFFF;
	_ =	strace $0x9FFFFFFF  }
0xc7: {  	(tm) =	ssettm $0x7FFFFFFF  }
tec
execute0_lowered:
.L_overlay_start_1:
0x0: {  	(tag) =	ssettag $0x1  }
0x1: {  	s0 =	rddreg [dreg:$0x0]  }
0x2: {  	s1 =	rddreg [dreg:$0x1]  }
0x3: {  	s2 =	rddreg [dreg:$0x2];
	s3 =	srdreg.scid  }
0x4: {  	s5 =	rddreg [dreg:$0x3];
	s12 =	stileid.u32;
	s4 =	simm.s32 $0x0  }
0x5: {  	s28 =	simm.s32 $0x500;
	s29 =	simm.s32 $0xA;
	s31 =	simm.s32 $0x78  }
0x6: {  	s6 =	sand.u32 $0x1, s3;
	s3 =	rddreg [dreg:$0x4];
	s26 =	smul.u32 $0x4E000, s12  }
0x7: {  	s30 =	simm.s32 $0x580;
	[smem:$0x7FF] =	sst s4;
	s18 =	smul.u32 $0x13800, s12  }
0x8: {  	s10 =	sadd.s32 $0x400, s1;
	s1 =	sadd.s32 $0x460, s1;
	s21 =	smul.u32 $0x54, s12  }
0x9: {  	s19 =	sshll.u32 s12, $0x6;
	p0 =	sne.s32 s12, $0xF;
	s14 =	smul.u32 $0x14000, s6  }
0xa: {  	s7 =	sshll.u32 s6, $0x4;
	s8 =	ssub.s32 $0x2, s6;
	s16 =	smul.u32 $0x138800, s6  }
0xb: {  	_ =	strace $0x80000047;
	s6 =	smul.u32 $0x540, s6;
	s20 =	sadd.s32 $0x138000, s3  }
0xc: {  	s7 =	sor.u32 s12, s7;
	s11 =	sshrl.u32 s8, $0x1;
	s15 =	sshrl.u32 s26, $0x2  }
0xd: {  	[dreg:$0xf] =	wrdreg s20;
	s12 =	simm.s32 $0x9;
	s9 =	smul.u32 $0xA80, s7  }
0xe: {  	s7 =	smul.u32 $0x5400, s7;
	s8 =	ssub.s32 s8, s11;
	s17 =	sshrl.u32 s14, $0x3  }
0xf: {  	s22 =	sadd.s32 s18, s16;
	s23 =	sshrl.u32 s16, $0x3;
	s25 =	sadd.s32 s10, s9  }
0x10: {  	s16 =	simm.s32 $0x0;
	s9 =	sadd.s32 s9, s1;
	[dreg:$0x6] =	wrdreg s25  }
0x11: {  	s18 =	simm.s32 $0x200;
	s13 =	sadd.s32 $0x20, s25;
	[dreg:$0x9] =	wrdreg s9  }
0x12: {  	s7 =	sshrl.u32 s7, $0x3;
	s11 =	sadd.s32 $0x40, s25;
	[dreg:$0x7] =	wrdreg s13  }
0x13: {  	s7 =	sadd.s32 s10, s7;
	s25 =	smax.u32 s8, $0x1;
	[dreg:$0x8] =	wrdreg s11  }
0x14: {  	s9 =	sadd.s32 s5, s23;
	s13 =	sadd.s32 $0x80, s7;
	[dreg:$0x13] =	wrdreg s25  }
0x15: {  	s8 =	simm.s32 $0x7E00;
	s7 =	sadd.s32 $0xA0, s7;
	[dreg:$0xa] =	wrdreg s13  }
0x16: {  	s24 =	sadd.s32 $0x27000, s9;
	s9 =	simm.s32 $0x7;
	[dreg:$0xb] =	wrdreg s7  }
0x17: {  	s11 =	simm.s32 $0x4;
	s7 =	sadd.s32 s15, s3;
	[dreg:$0x12] =	wrdreg s24  }
0x18: {  	s13 =	sor.u32 $0x1C0A, s19;
	s15 =	simm.s32 $0x5;
	[dreg:$0xc] =	wrdreg s7  }
0x19: {  	s7 =	sadd.s32 s2, s17;
	s2 =	sadd.s32 s21, s6;
	[dreg:$0xe] =	wrdreg s13  }
0x1a: {  	s6 =	simm.s32 $0x4200;
	[dreg:$0xd] =	wrdreg s7;
	s7 =	sadd.s32 $0x2700, s7  }
0x1b: {  	s17 =	simm.s32 $0x6;
	s2 =	sshll.u32 s2, $0x5;
	[dreg:$0x10] =	wrdreg s7  }
.Ltmp0:
0x1c: {  	s7 =	sshrl.u32 s22, $0x3;
	s26 =	sadd.s32 s10, s2;
	(pc) =	sbr.rel .LBB2_1-.Ltmp0, $4  }
0x1d: {  	s1 =	sadd.s32 s1, s2;
	s2 =	simm.s32 $0x2;
	s5 =	sadd.s32 s5, s7  }
0x1e: {  	s19 =	sadd.s32 $0x100, s26;
	s20 =	sadd.s32 $0x140, s26;
	s21 =	sadd.s32 $0x80, s1  }
0x1f: {  	s22 =	sadd.s32 $0xC0, s26;
	s26 =	simm.s32 $0x400;
	s1 =	simm.s32 $0x600  }
0x20: {  	s7 =	simm.s32 $0x3;
	[dreg:$0x11] =	wrdreg s5;
	s5 =	simm.s32 $0x8  }
.LBB2_4:
0x21: {  	_ =	swait.ge [sflag:s12], $0x3C00  }
0x22: {  	[sflag:s12] =	ssyncset.done $0x0  }
0x23: {  	[sflag:s12] =	ssyncadd.s32 $0xFFFFC400  }
0x24: {  	[spmem:s3] =	stream.indirect.scatter.add.f32 [tilespmem:s8], [sflag:$0xA], $0x80, s30, s31, $0xb8;
	[tilespmem:$0x1F280] =	vst v63  }
0x25: {  	_ =	swait.ge [sflag:s29], $0x3C00  }
0x26: {  	[sflag:s29] =	ssyncset.done $0x0  }
0x27: {  	[sflag:s29] =	ssyncadd.s32 $0xFFFFC400  }
0x28: {  	[bflag:$0x0] =	sbarrier.arrive $0xFFFF  }
0x29: {  	s13 =	rddreg [dreg:$0xe]  }
0x2a: {  	s10 =	rddreg [dreg:$0x11]  }
0x2b: {  	s14 =	rddreg [dreg:$0x15]  }
0x2c: {  	[hbm:s10], [sflag:s13] =	dma.local [spmem:s14], $0x2700  }
0x2d: {  	_ =	swait.ge [sflag:s29], $0x2700  }
0x2e: {  	[sflag:s29] =	ssyncset.done $0x0;
	s10 =	rddreg [dreg:$0x12]  }
0x2f: {  	s14 =	rddreg [dreg:$0x16];
	[sflag:s29] =	ssyncadd.s32 $0xFFFFD900  }
0x30: {  	[hbm:s10], [sflag:s13] =	dma.local @!p0 [spmem:s14], $0x100  }
0x31: {  	s10 =	simm.s32 @!p0 $0xA  }
0x32: {  	_ =	swait.ge @!p0 [sflag:s10], $0x100  }
0x33: {  	s16 =	rddreg [dreg:$0x14]  }
0x34: {  	s25 =	rddreg [dreg:$0x13];
	s16 =	sadd.s32 $0x1, s16  }
0x35: {  	p1 =	sne.s32 s16, s25  }
.Ltmp1:
0x36: {  	_ = 	snop;
	(pc) =	sbr.rel @!p1 .LBB2_5-.Ltmp1, $3  }
0x37: {  	_ =	sdelay $0x1  }
0x38: {  	[sflag:s10] =	ssyncset.done @!p0 $0x0  }
0x39: {  	[sflag:s10] =	ssyncadd.s32 @!p0 $0xFFFFFF00  }
.LBB2_1:
0x3a: {  	[dreg:$0x14] =	wrdreg s16  }
0x3b: {  	s10 =	rddreg [dreg:$0x6]  }
0x3c: {  	s25 =	rddreg [dreg:$0x7]  }
0x3d: {  	[tilespmem:s4], [sflag:$0x1] =	stream.linear.gather [hbm4b:s10+s4], $0x100, $0x38;
	[tilespmem:$0x1F280] =	vst v63  }
0x3e: {  	s14 =	simm.s32 $0x100;
	s16 =	rddreg [dreg:$0x8]  }
0x3f: {  	[tilespmem:s14], [sflag:$0x2] =	stream.linear.gather [hbm4b:s25+s4], $0x100, $0x38;
	[tilespmem:$0x1F280] =	vst v63  }
0x40: {  	s23 =	simm.s32 $0x200;
	s24 =	rddreg [dreg:$0x9]  }
0x41: {  	[tilespmem:s23], [sflag:$0x3] =	stream.linear.gather [hbm4b:s16+s4], $0x100, $0x38;
	[tilespmem:$0x1F280] =	vst v63  }
0x42: {  	s25 =	simm.s32 $0x300;
	s16 =	rddreg [dreg:$0xa]  }
0x43: {  	[tilespmem:s25], [sflag:$0x4] =	stream.linear.gather [hbm4b:s24+s4], $0x100, $0x38;
	[tilespmem:$0x1F280] =	vst v63  }
0x44: {  	s25 =	rddreg [dreg:$0xc]  }
0x45: {  	s24 =	rddreg [dreg:$0xb];
	s10 =	sshrl.u32 s25, $0x3  }
0x46: {  	[tilespmem:s26], [sflag:$0x5] =	stream.linear.gather [hbm4b:s16+s4], $0x100, $0x38;
	[tilespmem:$0x1F280] =	vst v63  }
0x47: {  	[dreg:$0x15] =	wrdreg s10  }
0x48: {  	[tilespmem:s28], [sflag:$0x6] =	stream.linear.gather [hbm4b:s24+s4], $0x100, $0x38;
	[tilespmem:$0x1F280] =	vst v63  }
0x49: {  	s24 =	rddreg [dreg:$0xd]  }
0x4a: {  	[spmem:s10], [sflag:s13] =	dma.local [hbm:s24], $0x2700  }
0x4b: {  	_ =	swait.ge [sflag:s29], $0x2700  }
0x4c: {  	s10 =	rddreg [dreg:$0xf]  }
0x4d: {  	[sflag:s29] =	ssyncset.done $0x0;
	s16 =	sshrl.u32 @!p0 s10, $0x3;
	s10 =	rddreg [dreg:$0x10]  }
0x4e: {  	[sflag:s29] =	ssyncadd.s32 $0xFFFFD900;
	[dreg:$0x16] =	wrdreg s16  }
0x4f: {  	[spmem:s16], [sflag:s13] =	dma.local @!p0 [hbm:s10], $0x100  }
0x50: {  	s13 =	simm.s32 @!p0 $0xA  }
0x51: {  	_ =	swait.ge @!p0 [sflag:s13], $0x100  }
0x52: {  	[sflag:s13] =	ssyncset.done @!p0 $0x0  }
0x53: {  	[sflag:s13] =	ssyncadd.s32 @!p0 $0xFFFFFF00  }
0x54: {  	s25 =	simm.s32 $0x1;
	[bflag:$0x0] =	sbarrier.arrive $0xFFFF  }
0x55: {  	_ =	swait.ge [sflag:s25], $0x100  }
0x56: {  	[sflag:s25] =	ssyncset.done $0x0  }
0x57: {  	[sflag:s25] =	ssyncadd.s32 $0xFFFFFF00  }
0x58: {  	[tilespmem:s1], [sflag:$0x7] =	stream.indirect.gather [hbm4b:s0+s31], $0x80, s4, s31, $0xb8;
	[tilespmem:$0x1F280] =	vst v63  }
0x59: {  	_ =	swait.ge [sflag:s2], $0x100  }
0x5a: {  	[sflag:s2] =	ssyncset.done $0x0  }
0x5b: {  	[sflag:s2] =	ssyncadd.s32 $0xFFFFFF00  }
0x5c: {  	[tilespmem:s6], [sflag:$0x8] =	stream.indirect.gather [hbm4b:s0+s31], $0x80, s14, s31, $0xb8;
	[tilespmem:$0x1F280] =	vst v63  }
0x5d: {  	_ =	swait.ge [sflag:s7], $0x100  }
0x5e: {  	[sflag:s7] =	ssyncset.done $0x0  }
0x5f: {  	s16 =	simm.s32 $0x100;
	s13 =	simm.s32 $0x0;
	[sflag:s7] =	ssyncadd.s32 $0xFFFFFF00  }
0x60: {  	[tilespmem:s8], [sflag:$0x9] =	stream.indirect.gather [hbm4b:s0+s31], $0x80, s23, s31, $0xb8;
	[tilespmem:$0x1F280] =	vst v63  }
.LBB2_2:
0x61: {  	_ =	swait.ge [sflag:s9], $0x3C00  }
0x62: {  	[sflag:s9] =	ssyncset.done $0x0  }
0x63: {  	s10 =	simm.s32 $0x80;
	[sflag:s9] =	ssyncadd.s32 $0xFFFFC400  }
0x64: {  	[spmem:s3] =	stream.indirect.scatter.add.f32 [tilespmem:s1], [sflag:$0xA], $0x80, s10, s31, $0xb8;
	[tilespmem:$0x1F280] =	vst v63  }
0x65: {  	_ =	swait.ge [sflag:s29], $0x3C00  }
0x66: {  	[sflag:s29] =	ssyncset.done $0x0  }
0x67: {  	[sflag:s29] =	ssyncadd.s32 $0xFFFFC400  }
0x68: {  	_ =	swait.ge [sflag:s11], $0x100  }
0x69: {  	[sflag:s11] =	ssyncset.done $0x0  }
0x6a: {  	s25 =	simm.s32 $0x300;
	p1 =	seq.s32 s13, $0x9C0;
	[sflag:s11] =	ssyncadd.s32 $0xFFFFFF00  }
0x6b: {  	[tilespmem:s1], [sflag:$0x7] =	stream.indirect.gather [hbm4b:s0+s31], $0x80, s25, s31, $0xb8;
	[tilespmem:$0x1F280] =	vst v63  }
0x6c: {  	s23 =	sadd.s32 @!p1 s13, s22;
	s24 =	simm.s32 @!p1 $0x0  }
0x6d: {  	[tilespmem:s24], [sflag:$0x1] =	stream.linear.gather @!p1 [hbm4b:s23+s24], $0x100, $0x38;
	[tilespmem:$0x1F280] =	vst v63  }
0x6e: {  	_ =	swait.ge [sflag:s5], $0x3C00  }
0x6f: {  	[sflag:s5] =	ssyncset.done $0x0  }
0x70: {  	s14 =	simm.s32 $0x180;
	[sflag:s5] =	ssyncadd.s32 $0xFFFFC400  }
0x71: {  	[spmem:s3] =	stream.indirect.scatter.add.f32 [tilespmem:s6], [sflag:$0xA], $0x80, s14, s31, $0xb8;
	[tilespmem:$0x1F280] =	vst v63  }
0x72: {  	_ =	swait.ge [sflag:s29], $0x3C00  }
0x73: {  	[sflag:s29] =	ssyncset.done $0x0  }
0x74: {  	[sflag:s29] =	ssyncadd.s32 $0xFFFFC400  }
0x75: {  	_ =	swait.ge [sflag:s15], $0x100  }
0x76: {  	[sflag:s15] =	ssyncset.done $0x0  }
0x77: {  	[sflag:s15] =	ssyncadd.s32 $0xFFFFFF00  }
0x78: {  	[tilespmem:s6], [sflag:$0x8] =	stream.indirect.gather [hbm4b:s0+s31], $0x80, s26, s31, $0xb8;
	[tilespmem:$0x1F280] =	vst v63  }
0x79: {  	s25 =	simm.s32 @!p1 $0x100;
	s23 =	sadd.s32 @!p1 s13, s21  }
0x7a: {  	[tilespmem:s25], [sflag:$0x2] =	stream.linear.gather @!p1 [hbm4b:s23+s24], $0x100, $0x38;
	[tilespmem:$0x1F280] =	vst v63  }
0x7b: {  	_ =	swait.ge [sflag:s12], $0x3C00  }
0x7c: {  	[sflag:s12] =	ssyncset.done $0x0  }
0x7d: {  	s23 =	simm.s32 $0x280;
	[sflag:s12] =	ssyncadd.s32 $0xFFFFC400  }
0x7e: {  	[spmem:s3] =	stream.indirect.scatter.add.f32 [tilespmem:s8], [sflag:$0xA], $0x80, s23, s31, $0xb8;
	[tilespmem:$0x1F280] =	vst v63  }
0x7f: {  	_ =	swait.ge [sflag:s29], $0x3C00  }
0x80: {  	[sflag:s29] =	ssyncset.done $0x0  }
0x81: {  	[sflag:s29] =	ssyncadd.s32 $0xFFFFC400  }
0x82: {  	_ =	swait.ge [sflag:s17], $0x100  }
0x83: {  	[sflag:s17] =	ssyncset.done $0x0  }
0x84: {  	s23 =	simm.s32 @p1 $0x7;
	[sflag:s17] =	ssyncadd.s32 $0xFFFFFF00  }
0x85: {  	[tilespmem:s8], [sflag:$0x9] =	stream.indirect.gather [hbm4b:s0+s31], $0x80, s28, s31, $0xb8;
	[tilespmem:$0x1F280] =	vst v63  }
0x86: {  	_ =	swait.ge @p1 [sflag:s23], $0x3C00  }
0x87: {  	s10 =	simm.s32 @p1 $0x600;
	[sflag:s23] =	ssyncset.done @p1 $0x0  }
0x88: {  	s25 =	simm.s32 @p1 $0x380;
	[sflag:s23] =	ssyncadd.s32 @p1 $0xFFFFC400;
	s23 =	simm.s32 @p1 $0x78  }
0x89: {  	[spmem:s3] =	stream.indirect.scatter.add.f32 @p1 [tilespmem:s10], [sflag:$0xA], $0x80, s25, s23, $0xb8;
	[tilespmem:$0x1F280] =	vst v63  }
0x8a: {  	s10 =	simm.s32 @p1 $0xA  }
0x8b: {  	_ =	swait.ge @p1 [sflag:s10], $0x3C00  }
0x8c: {  	[sflag:s10] =	ssyncset.done @p1 $0x0  }
0x8d: {  	s23 =	simm.s32 @!p1 $0x200;
	[sflag:s10] =	ssyncadd.s32 @p1 $0xFFFFC400;
	s10 =	sadd.s32 @!p1 s13, s19  }
0x8e: {  	[tilespmem:s23], [sflag:$0x3] =	stream.linear.gather @!p1 [hbm4b:s10+s24], $0x100, $0x38;
	[tilespmem:$0x1F280] =	vst v63  }
0x8f: {  	s23 =	simm.s32 @!p1 $0x7  }
0x90: {  	_ =	swait.ge @!p1 [sflag:s23], $0x3C00  }
0x91: {  	s14 =	simm.s32 @!p1 $0x600;
	[sflag:s23] =	ssyncset.done @!p1 $0x0  }
0x92: {  	s25 =	simm.s32 @!p1 $0x380;
	[sflag:s23] =	ssyncadd.s32 @!p1 $0xFFFFC400;
	s23 =	simm.s32 @!p1 $0x78  }
0x93: {  	[spmem:s3] =	stream.indirect.scatter.add.f32 @!p1 [tilespmem:s14], [sflag:$0xA], $0x80, s25, s23, $0xb8;
	[tilespmem:$0x1F280] =	vst v63  }
0x94: {  	s25 =	simm.s32 @!p1 $0xA  }
0x95: {  	_ =	swait.ge @!p1 [sflag:s25], $0x3C00  }
0x96: {  	[sflag:s25] =	ssyncset.done @!p1 $0x0  }
0x97: {  	[sflag:s25] =	ssyncadd.s32 @!p1 $0xFFFFC400;
	s25 =	simm.s32 @!p1 $0x1  }
0x98: {  	_ =	swait.ge @!p1 [sflag:s25], $0x100  }
0x99: {  	[sflag:s25] =	ssyncset.done @!p1 $0x0  }
0x9a: {  	[sflag:s25] =	ssyncadd.s32 @!p1 $0xFFFFFF00  }
0x9b: {  	[tilespmem:s14], [sflag:$0x7] =	stream.indirect.gather @!p1 [hbm4b:s0+s23], $0x80, s24, s23, $0xb8;
	[tilespmem:$0x1F280] =	vst v63  }
0x9c: {  	s10 =	sadd.s32 @!p1 $0x20, s10;
	s14 =	simm.s32 @!p1 $0x300  }
0x9d: {  	[tilespmem:s14], [sflag:$0x4] =	stream.linear.gather @!p1 [hbm4b:s10+s24], $0x100, $0x38;
	[tilespmem:$0x1F280] =	vst v63  }
0x9e: {  	_ =	swait.ge [sflag:s5], $0x3C00  }
0x9f: {  	[sflag:s5] =	ssyncset.done $0x0  }
.Ltmp2:
0xa0: {  	s25 =	simm.s32 $0x480;
	[sflag:s5] =	ssyncadd.s32 $0xFFFFC400;
	(pc) =	sbr.rel @p1 .LBB2_4-.Ltmp2, $4  }
0xa1: {  	[spmem:s3] =	stream.indirect.scatter.add.f32 [tilespmem:s6], [sflag:$0xA], $0x80, s25, s31, $0xb8;
	[tilespmem:$0x1F280] =	vst v63  }
0xa2: {  	_ =	swait.ge [sflag:s29], $0x3C00  }
0xa3: {  	[sflag:s29] =	ssyncset.done $0x0  }
0xa4: {  	[sflag:s29] =	ssyncadd.s32 $0xFFFFC400  }
0xa5: {  	_ =	swait.ge [sflag:s2], $0x100  }
0xa6: {  	[sflag:s2] =	ssyncset.done $0x0  }
0xa7: {  	[sflag:s2] =	ssyncadd.s32 $0xFFFFFF00  }
0xa8: {  	[tilespmem:s6], [sflag:$0x8] =	stream.indirect.gather [hbm4b:s0+s31], $0x80, s16, s31, $0xb8;
	[tilespmem:$0x1F280] =	vst v63  }
0xa9: {  	s10 =	sadd.s32 s13, s20  }
0xaa: {  	[tilespmem:s26], [sflag:$0x5] =	stream.linear.gather [hbm4b:s10+s4], $0x100, $0x38;
	[tilespmem:$0x1F280] =	vst v63  }
0xab: {  	_ =	swait.ge [sflag:s12], $0x3C00  }
0xac: {  	[sflag:s12] =	ssyncset.done $0x0  }
0xad: {  	[sflag:s12] =	ssyncadd.s32 $0xFFFFC400  }
0xae: {  	[spmem:s3] =	stream.indirect.scatter.add.f32 [tilespmem:s8], [sflag:$0xA], $0x80, s30, s31, $0xb8;
	[tilespmem:$0x1F280] =	vst v63  }
0xaf: {  	_ =	swait.ge [sflag:s29], $0x3C00  }
0xb0: {  	[sflag:s29] =	ssyncset.done $0x0  }
0xb1: {  	[sflag:s29] =	ssyncadd.s32 $0xFFFFC400  }
0xb2: {  	_ =	swait.ge [sflag:s7], $0x100  }
.Ltmp3:
0xb3: {  	[sflag:s7] =	ssyncset.done $0x0;
	(pc) =	sbr.rel .LBB2_2-.Ltmp3, $4  }
0xb4: {  	s25 =	sadd.s32 s13, s19;
	[sflag:s7] =	ssyncadd.s32 $0xFFFFFF00  }
0xb5: {  	[tilespmem:s8], [sflag:$0x9] =	stream.indirect.gather [hbm4b:s0+s31], $0x80, s18, s31, $0xb8;
	[tilespmem:$0x1F280] =	vst v63  }
0xb6: {  	s13 =	sadd.s32 $0xC0, s13;
	s10 =	sadd.s32 $0x60, s25  }
0xb7: {  	[tilespmem:s28], [sflag:$0x6] =	stream.linear.gather [hbm4b:s10+s4], $0x100, $0x38;
	[tilespmem:$0x1F280] =	vst v63  }
.LBB2_5:
0xb8: {  	_ =	sfence.sel $0x180000  }
0xb9: {  	[bflag:$0x0] =	sbarrier.arrive $0xFFFF  }
0xba: {  	_ =	strace $0x90000047  }
0xbb: {  	s0 =	stileid.u32;
	[bflag:$0x2] =	sbarrier.arrive $0xFFFF  }
0xbc: {  	p0 =	sne.s32 s0, $0x0;
	s0 =	rddreg [dreg:$0x5]  }
0xbd: {  	s0 =	sadd.s32 @!p0 $0x100000, s0  }
0xbe: {  	[sflag:s0] =	ssyncadd.tile.s32 @!p0 $0x1;
	_ =	shalt  }
.Lfunc_end2:
_tile_overlayer_lowered:
.L_overlay_start_2:
0xbf: {  	(tag) =	ssettag $0x2  }
0xc0: {  	s0 =	rddreg [dreg:$0x0];
	s2 =	stileid.u32  }
0xc1: {  	s1 =	rddreg [dreg:$0x1];
	p0 =	sne.s32 s2, $0x0  }
0xc2: {  	s3 =	rddreg [dreg:$0x2];
	[bflag:$0x3] =	sbarrier.arrive $0xFFFF;
	s2 =	simm.s32 @!p0 $0x1C0A  }
0xc3: {  	[timem:s3], [sflag:s2] =	dma.local @!p0 [hbm:s0], s1  }
0xc4: {  	s0 =	simm.s32 @!p0 $0xA  }
0xc5: {  	_ =	swait.ge @!p0 [sflag:s0], s1  }
0xc6: {  	s1 =	ssub.s32 @!p0 $0x0, s1;
	[sflag:s0] =	ssyncset.done @!p0 $0x0  }
0xc7: {  	[sflag:s0] =	ssyncadd.s32 @!p0 s1  }
0xc8: {  	[bflag:$0x3] =	sbarrier.arrive $0xFFFF  }
0xc9: {  	_ =	shalt  }

</sc_bundles>
